<compile_context>
chip_gen: v7x
topology: tpu7x:2x2x1
jax: 0.10.2.dev20260603
libtpu: 0.0.44.dev20260713+nightly
codegen_flags: <defaults>
</compile_context>

<pallas_src>
import functools

import jax
import jax.numpy as jnp
from jax import lax
from jax.experimental import pallas as pl
from jax.experimental.pallas import tpu as pltpu
from jax.experimental.pallas import tpu_sc as plsc

NSUB = 16
NCORE = 2
NW = NSUB * NCORE
CHUNK = 128
LANES = 16
ZR = 64


def _make_deg_kernel(nch, npd):
    rpt = npd // NSUB
    mesh = plsc.VectorSubcoreMesh(core_axis_name="c", subcore_axis_name="s")

    @functools.partial(
        pl.kernel,
        out_type=jax.ShapeDtypeStruct((NCORE, npd), jnp.float32),
        mesh=mesh,
        scratch_types=[
            pltpu.VMEM((nch, CHUNK), jnp.int32),
            pltpu.VMEM((CHUNK,), jnp.float32),
            pltpu.VMEM((rpt,), jnp.float32),
            pltpu.VMEM_SHARED((npd,), jnp.float32),
        ],
    )
    def deg_kernel(dstp_hbm, out_hbm, dst_v, ones_v, zb_v, acc_sh):
        cid = lax.axis_index("c")
        sid = lax.axis_index("s")
        wid = cid * NSUB + sid
        pltpu.sync_copy(dstp_hbm.at[wid], dst_v)
        onev = jnp.ones((LANES,), jnp.float32)
        zerov = jnp.zeros((LANES,), jnp.float32)
        for k in range(CHUNK // LANES):
            ones_v[pl.ds(k * LANES, LANES)] = onev

        def zrow(r, carry):
            zb_v[pl.ds(r * LANES, LANES)] = zerov
            return carry

        lax.fori_loop(0, rpt // LANES, zrow, 0)
        pltpu.sync_copy(zb_v, acc_sh.at[pl.ds(sid * rpt, rpt)])
        plsc.subcore_barrier()

        def step(j, carry):
            pltpu.sync_copy(ones_v, acc_sh.at[dst_v.at[j]], add=True)
            return carry

        lax.fori_loop(0, nch, step, 0)
        plsc.subcore_barrier()
        pltpu.sync_copy(acc_sh.at[pl.ds(sid * rpt, rpt)],
                        out_hbm.at[cid, pl.ds(sid * rpt, rpt)])

    return deg_kernel


def _make_edge_kernel(nch, npd, h):
    rpt = npd // NSUB
    mesh = plsc.VectorSubcoreMesh(core_axis_name="c", subcore_axis_name="s")

    @functools.partial(
        pl.kernel,
        out_type=jax.ShapeDtypeStruct((NCORE, npd, h), jnp.float32),
        mesh=mesh,
        scratch_types=[
            pltpu.VMEM((nch, CHUNK), jnp.int32),
            pltpu.VMEM((nch, CHUNK), jnp.int32),
            pltpu.VMEM((CHUNK, h), jnp.float32),
            pltpu.VMEM((ZR, h), jnp.float32),
            pltpu.VMEM_SHARED((npd, h), jnp.float32),
            pltpu.SemaphoreType.DMA,
        ],
    )
    def edge_kernel(hs_hbm, srcp_hbm, dstp_hbm, out_hbm,
                    src_v, dst_v, rows_v, zb_v, acc_sh, sem):
        cid = lax.axis_index("c")
        sid = lax.axis_index("s")
        wid = cid * NSUB + sid
        pltpu.sync_copy(srcp_hbm.at[wid], src_v)
        pltpu.sync_copy(dstp_hbm.at[wid], dst_v)

        zerov = jnp.zeros((LANES,), jnp.float32)

        def zrow(r, carry):
            for c in range(h // LANES):
                zb_v[r, pl.ds(c * LANES, LANES)] = zerov
            return carry

        lax.fori_loop(0, ZR, zrow, 0)
        for k in range(rpt // ZR):
            pltpu.sync_copy(zb_v, acc_sh.at[pl.ds(sid * rpt + k * ZR, ZR)])
        plsc.subcore_barrier()

        def step(j, carry):
            pltpu.async_copy(hs_hbm.at[src_v.at[j]], rows_v, sem).wait()
            pltpu.sync_copy(rows_v, acc_sh.at[dst_v.at[j]], add=True)
            return carry

        lax.fori_loop(0, nch, step, 0)
        plsc.subcore_barrier()
        pltpu.sync_copy(acc_sh.at[pl.ds(sid * rpt, rpt)],
                        out_hbm.at[cid, pl.ds(sid * rpt, rpt)])

    return edge_kernel


def _gelu(v):
    return 0.5 * v * (1.0 + lax.erf(v * 0.7071067811865476))


def _k1_body(degp_ref, x_ref, w_ref, hs_ref, dinv_ref):
    deg = degp_ref[0] + degp_ref[1] + 1.0
    dinv = lax.rsqrt(deg)
    hs_ref[...] = jnp.dot(x_ref[...], w_ref[...],
                          preferred_element_type=jnp.float32) * dinv
    dinv_ref[...] = dinv


def _mid_body(p_ref, hs_ref, dinv_ref, b_ref, w_ref, g_ref, hsn_ref):
    dinv = dinv_ref[...]
    g = _gelu(dinv * (p_ref[0] + p_ref[1] + hs_ref[...]) + b_ref[...])
    g_ref[...] = g
    hsn_ref[...] = jnp.dot(g, w_ref[...],
                           preferred_element_type=jnp.float32) * dinv


def _final_body(x_ref, g1_ref, g2_ref, g3_ref, wm_ref, bm_ref, gamma_ref,
                beta_ref, out_ref):
    z = jnp.dot(x_ref[...], wm_ref[0], preferred_element_type=jnp.float32)
    z += jnp.dot(g1_ref[...], wm_ref[1], preferred_element_type=jnp.float32)
    z += jnp.dot(g2_ref[...], wm_ref[2], preferred_element_type=jnp.float32)
    z += jnp.dot(g3_ref[...], wm_ref[3], preferred_element_type=jnp.float32)
    o = _gelu(z + bm_ref[...])
    mu = jnp.mean(o, axis=-1, keepdims=True)
    var = jnp.mean((o - mu) ** 2, axis=-1, keepdims=True)
    out_ref[...] = (o - mu) * lax.rsqrt(var + 1e-5) * gamma_ref[...] + beta_ref[...]


def kernel(x, edge_index, W1, b1, W2, b2, W3, b3, Wm, bm, gamma, beta):
    n, d = x.shape
    h = W1.shape[1]
    e = edge_index.shape[1]

    nch = -(-e // (NW * CHUNK))
    ep = NW * nch * CHUNK
    npd = -(-(n + 1) // (NSUB * ZR)) * (NSUB * ZR)

    src = edge_index[0]
    dst = edge_index[1]
    pad = ep - e
    srcp = jnp.concatenate([src, jnp.zeros((pad,), jnp.int32)]).reshape(NW, nch, CHUNK)
    dstp = jnp.concatenate([dst, jnp.full((pad,), n, jnp.int32)]).reshape(NW, nch, CHUNK)

    deg_kernel = _make_deg_kernel(nch, npd)
    edge_kernel = _make_edge_kernel(nch, npd, h)

    degp = deg_kernel(dstp)
    degp3 = degp.reshape(NCORE, npd, 1)

    bn = 2000
    grid = (n // bn,)

    def rows2(i):
        return (i, 0)

    full2 = pl.BlockSpec((d, h), lambda i: (0, 0))
    row_spec = pl.BlockSpec((bn, h), rows2)
    col_spec = pl.BlockSpec((bn, 1), rows2)
    part_spec = pl.BlockSpec((NCORE, bn, h), lambda i: (0, i, 0))
    vec_spec = pl.BlockSpec((1, h), lambda i: (0, 0))

    hs1, dinv = pl.pallas_call(
        _k1_body,
        grid=grid,
        in_specs=[pl.BlockSpec((NCORE, bn, 1), lambda i: (0, i, 0)),
                  row_spec, full2],
        out_specs=[row_spec, col_spec],
        out_shape=[jax.ShapeDtypeStruct((n, h), jnp.float32),
                   jax.ShapeDtypeStruct((n, 1), jnp.float32)],
    )(degp3, x, W1)

    mid_call = pl.pallas_call(
        _mid_body,
        grid=grid,
        in_specs=[part_spec, row_spec, col_spec, vec_spec, full2],
        out_specs=[row_spec, row_spec],
        out_shape=[jax.ShapeDtypeStruct((n, h), jnp.float32),
                   jax.ShapeDtypeStruct((n, h), jnp.float32)],
    )

    def hop(hs, wb):
        w_next, b = wb
        p = edge_kernel(hs, srcp, dstp)
        g, hs_next = mid_call(p, hs, dinv, b, w_next)
        return hs_next, g

    ws = jnp.stack([W2, W3, W3])
    bs = jnp.stack([b1.reshape(1, h), b2.reshape(1, h), b3.reshape(1, h)])
    _, gs = lax.scan(hop, hs1, (ws, bs))

    out = pl.pallas_call(
        _final_body,
        grid=grid,
        in_specs=[row_spec, row_spec, row_spec, row_spec,
                  pl.BlockSpec((4, d, h), lambda i: (0, 0, 0)),
                  vec_spec, vec_spec, vec_spec],
        out_specs=row_spec,
        out_shape=jax.ShapeDtypeStruct((n, h), jnp.float32),
    )(x, gs[0], gs[1], gs[2],
      Wm.reshape(4, d, h), bm.reshape(1, h), gamma.reshape(1, h),
      beta.reshape(1, h))
    return out

# --- scband reference (transcript-rebuilt; emitter-appended) ---
"""Pipeline reference for scband-gcncontext-aggregator-20040317403439 (READ-ONLY COPY).

The authoritative reference and input builder live on the scoring server;
editing this copy changes nothing except your own understanding.
"""

import jax, jax.numpy as jnp
import numpy as np


def gcn_conv(x, edge_index, W, b):
    N = x.shape[0]
    loop = jnp.arange(N, dtype=edge_index.dtype)
    src = jnp.concatenate([edge_index[0], loop])
    dst = jnp.concatenate([edge_index[1], loop])
    h = x @ W
    deg = jnp.zeros((N,), dtype=x.dtype).at[dst].add(1.0)
    dinv = jnp.where(deg > 0, deg ** -0.5, 0.0)
    norm = dinv[src] * dinv[dst]
    msg = h[src] * norm[:, None]
    out = jnp.zeros((N, h.shape[1]), dtype=x.dtype).at[dst].add(msg)
    return out + b


def layer_norm(x, g, b, eps=1e-5):
    mu = jnp.mean(x, axis=-1, keepdims=True)
    var = jnp.var(x, axis=-1, keepdims=True)
    return (x - mu) / jnp.sqrt(var + eps) * g + b


def setup_inputs(seed: int = 0):
    key = jax.random.key(seed)
    ks = jax.random.split(key, 12)
    N, E, D, H = 10000, 320000, 128, 128
    x = jax.random.normal(ks[0], (N, D), dtype=jnp.float32)
    edge_index = jax.random.randint(ks[1], (2, E), 0, N, dtype=jnp.int32)
    def lin(k, fan_in, fan_out):
        bound = 1.0 / np.sqrt(fan_in)
        kw, kb = jax.random.split(k)
        W = jax.random.uniform(kw, (fan_in, fan_out), jnp.float32, -bound, bound)
        b = jax.random.uniform(kb, (fan_out,), jnp.float32, -bound, bound)
        return W, b
    W1, b1 = lin(ks[2], D, H)
    W2, b2 = lin(ks[3], H, H)
    W3, b3 = lin(ks[4], H, H)
    Wm, bm = lin(ks[5], D + 3 * H, H)
    gamma = jnp.ones((H,), jnp.float32)
    beta = jnp.zeros((H,), jnp.float32)
    return {"x": x, "edge_index": edge_index, "W1": W1, "b1": b1, "W2": W2, "b2": b2, "W3": W3, "b3": b3, "Wm": Wm, "bm": bm, "gamma": gamma, "beta": beta}


def reference(x, edge_index, W1, b1, W2, b2, W3, b3, Wm, bm, gamma, beta):
    hops = [x]
    h = x
    for (W, b) in ((W1, b1), (W2, b2), (W3, b3)):
        h = jax.nn.gelu(gcn_conv(h, edge_index, W, b), approximate=False)
        hops.append(h)
    cat = jnp.concatenate(hops, axis=-1)
    out = jax.nn.gelu(cat @ Wm + bm, approximate=False)
    return layer_norm(out, gamma, beta)

if __name__ == "__main__":
    import jax
    _d = setup_inputs()
    print(jax.jit(kernel)(*tuple(_d.values())))

</pallas_src>

<mosaic_0001>
#map = affine_map<(d0, d1) -> (0, 0)>
#map1 = affine_map<(d0, d1) -> (0, 0, 0)>
module attributes {stable_mosaic.version = 14 : i64} {
  func.func @edge_kernel(%arg0: i32, %arg1: i32, %arg2: memref<10000x128xf32, #tpu.memory_space<hbm>>, %arg3: memref<32x79x128xi32, #tpu.memory_space<hbm>>, %arg4: memref<32x79x128xi32, #tpu.memory_space<hbm>>, %arg5: memref<2x10240x128xf32, #tpu.memory_space<hbm>>, %arg6: memref<79x128xi32, #tpu.memory_space<vmem>>, %arg7: memref<79x128xi32, #tpu.memory_space<vmem>>, %arg8: memref<128x128xf32, #tpu.memory_space<vmem>>, %arg9: memref<64x128xf32, #tpu.memory_space<vmem>>, %arg10: memref<10240x128xf32, #tpu.memory_space<vmem_shared>>, %arg11: memref<!tpu.dma_semaphore, #tpu.memory_space<semaphore_mem>>) attributes {dimension_semantics = [#tpu.dimension_semantics<core_parallel>, #tpu.dimension_semantics<subcore_parallel>], iteration_bounds = array<i64: 2, 16>, scalar_prefetch = 0 : i64, scratch_operands = 6 : i64, tpu.core_type = #tpu.core_type<sc_vector_subcore>, window_params = [{transform_indices = #map}, {transform_indices = #map1}, {transform_indices = #map1}, {transform_indices = #map1}]} {
    %mul3A = arith.constant 16 : i32
    %mul3A_0 = arith.muli %arg0, %mul3A : i32
    %add3A = arith.addi %mul3A_0, %arg1 : i32
    "tpu.region"() ({
      %run_scoped3A = tpu.sem_alloc : memref<!tpu.dma_semaphore, #tpu.memory_space<semaphore_mem>>
      %dma_start3A = arith.constant 0 : i32
      %dma_start3A_58 = arith.constant 0 : i32
      %dma_start3A_59 = tpu.memref_slice %arg3[%add3A, %dma_start3A, %dma_start3A_58] : memref<32x79x128xi32, #tpu.memory_space<hbm>> -> memref<1x79x128xi32, #tpu.memory_space<hbm>>
      %dma_start3A_60 = tpu.memref_squeeze %dma_start3A_59 : memref<1x79x128xi32, #tpu.memory_space<hbm>> -> memref<79x128xi32, #tpu.memory_space<hbm>>
      %dma_start3A_61 = arith.constant 0 : i32
      %dma_start3A_62 = arith.constant 0 : i32
      %dma_start3A_63 = tpu.memref_slice %arg3[%add3A, %dma_start3A_61, %dma_start3A_62] : memref<32x79x128xi32, #tpu.memory_space<hbm>> -> memref<1x79x128xi32, #tpu.memory_space<hbm>>
      %dma_start3A_64 = tpu.memref_squeeze %dma_start3A_63 : memref<1x79x128xi32, #tpu.memory_space<hbm>> -> memref<79x128xi32, #tpu.memory_space<hbm>>
      tpu.enqueue_dma source(%dma_start3A_64 : memref<79x128xi32, #tpu.memory_space<hbm>>) target(%arg6 : memref<79x128xi32, #tpu.memory_space<vmem>>) target_semaphore(%run_scoped3A : memref<!tpu.dma_semaphore, #tpu.memory_space<semaphore_mem>>)
      %dma_wait3A = arith.constant 0 : i32
      %dma_wait3A_65 = arith.constant 0 : i32
      %dma_wait3A_66 = tpu.memref_slice %arg3[%add3A, %dma_wait3A, %dma_wait3A_65] : memref<32x79x128xi32, #tpu.memory_space<hbm>> -> memref<1x79x128xi32, #tpu.memory_space<hbm>>
      %dma_wait3A_67 = tpu.memref_squeeze %dma_wait3A_66 : memref<1x79x128xi32, #tpu.memory_space<hbm>> -> memref<79x128xi32, #tpu.memory_space<hbm>>
      %dma_wait3A_68 = arith.constant 0 : i32
      %dma_wait3A_69 = arith.constant 0 : i32
      %dma_wait3A_70 = tpu.memref_slice %arg3[%add3A, %dma_wait3A_68, %dma_wait3A_69] : memref<32x79x128xi32, #tpu.memory_space<hbm>> -> memref<1x79x128xi32, #tpu.memory_space<hbm>>
      %dma_wait3A_71 = tpu.memref_squeeze %dma_wait3A_70 : memref<1x79x128xi32, #tpu.memory_space<hbm>> -> memref<79x128xi32, #tpu.memory_space<hbm>>
      tpu.wait_dma2 semaphore(%run_scoped3A : memref<!tpu.dma_semaphore, #tpu.memory_space<semaphore_mem>>) src(%dma_wait3A_71 : memref<79x128xi32, #tpu.memory_space<hbm>>) dst(%arg6 : memref<79x128xi32, #tpu.memory_space<vmem>>)
      tpu.yield
    }) : () -> ()
    "tpu.region"() ({
      %run_scoped3A = tpu.sem_alloc : memref<!tpu.dma_semaphore, #tpu.memory_space<semaphore_mem>>
      %dma_start3A = arith.constant 0 : i32
      %dma_start3A_58 = arith.constant 0 : i32
      %dma_start3A_59 = tpu.memref_slice %arg4[%add3A, %dma_start3A, %dma_start3A_58] : memref<32x79x128xi32, #tpu.memory_space<hbm>> -> memref<1x79x128xi32, #tpu.memory_space<hbm>>
      %dma_start3A_60 = tpu.memref_squeeze %dma_start3A_59 : memref<1x79x128xi32, #tpu.memory_space<hbm>> -> memref<79x128xi32, #tpu.memory_space<hbm>>
      %dma_start3A_61 = arith.constant 0 : i32
      %dma_start3A_62 = arith.constant 0 : i32
      %dma_start3A_63 = tpu.memref_slice %arg4[%add3A, %dma_start3A_61, %dma_start3A_62] : memref<32x79x128xi32, #tpu.memory_space<hbm>> -> memref<1x79x128xi32, #tpu.memory_space<hbm>>
      %dma_start3A_64 = tpu.memref_squeeze %dma_start3A_63 : memref<1x79x128xi32, #tpu.memory_space<hbm>> -> memref<79x128xi32, #tpu.memory_space<hbm>>
      tpu.enqueue_dma source(%dma_start3A_64 : memref<79x128xi32, #tpu.memory_space<hbm>>) target(%arg7 : memref<79x128xi32, #tpu.memory_space<vmem>>) target_semaphore(%run_scoped3A : memref<!tpu.dma_semaphore, #tpu.memory_space<semaphore_mem>>)
      %dma_wait3A = arith.constant 0 : i32
      %dma_wait3A_65 = arith.constant 0 : i32
      %dma_wait3A_66 = tpu.memref_slice %arg4[%add3A, %dma_wait3A, %dma_wait3A_65] : memref<32x79x128xi32, #tpu.memory_space<hbm>> -> memref<1x79x128xi32, #tpu.memory_space<hbm>>
      %dma_wait3A_67 = tpu.memref_squeeze %dma_wait3A_66 : memref<1x79x128xi32, #tpu.memory_space<hbm>> -> memref<79x128xi32, #tpu.memory_space<hbm>>
      %dma_wait3A_68 = arith.constant 0 : i32
      %dma_wait3A_69 = arith.constant 0 : i32
      %dma_wait3A_70 = tpu.memref_slice %arg4[%add3A, %dma_wait3A_68, %dma_wait3A_69] : memref<32x79x128xi32, #tpu.memory_space<hbm>> -> memref<1x79x128xi32, #tpu.memory_space<hbm>>
      %dma_wait3A_71 = tpu.memref_squeeze %dma_wait3A_70 : memref<1x79x128xi32, #tpu.memory_space<hbm>> -> memref<79x128xi32, #tpu.memory_space<hbm>>
      tpu.wait_dma2 semaphore(%run_scoped3A : memref<!tpu.dma_semaphore, #tpu.memory_space<semaphore_mem>>) src(%dma_wait3A_71 : memref<79x128xi32, #tpu.memory_space<hbm>>) dst(%arg7 : memref<79x128xi32, #tpu.memory_space<vmem>>)
      tpu.yield
    }) : () -> ()
    %broadcast_in_dim3A = arith.constant 0.000000e+00 : f32
    %broadcast_in_dim3A_1 = vector.broadcast %broadcast_in_dim3A : f32 to vector<16xf32>
    %scan3A = arith.constant 0 : i32
    %scan3A_2 = arith.constant 0 : i32
    %scan3A_3 = arith.constant 64 : i32
    %scan3A_4 = arith.addi %scan3A_2, %scan3A_3 : i32
    %scan3A_5 = arith.constant 1 : i32
    scf.for %scan3A_58 = %scan3A_2 to %scan3A_4 step %scan3A_5  : i32 {
      %swap3A = arith.index_cast %scan3A_58 : i32 to index
      %swap3A_59 = arith.constant 0 : index
      %swap3A_60 = tpu.vector_load %arg9[%swap3A, %swap3A_59] {strides = array<i32>} : memref<64x128xf32, #tpu.memory_space<vmem>>, vector<1x16xf32>,
      %swap3A_61 = vector.shape_cast %swap3A_60 : vector<1x16xf32> to vector<16xf32>
      %swap3A_62 = vector.shape_cast %broadcast_in_dim3A_1 : vector<16xf32> to vector<1x16xf32>
      tpu.vector_store %arg9[%swap3A, %swap3A_59], %swap3A_62 {strides = array<i32>} : memref<64x128xf32, #tpu.memory_space<vmem>>, vector<1x16xf32>,
      %swap3A_63 = arith.index_cast %scan3A_58 : i32 to index
      %swap3A_64 = arith.constant 16 : index
      %swap3A_65 = tpu.vector_load %arg9[%swap3A_63, %swap3A_64] {strides = array<i32>} : memref<64x128xf32, #tpu.memory_space<vmem>>, vector<1x16xf32>,
      %swap3A_66 = vector.shape_cast %swap3A_65 : vector<1x16xf32> to vector<16xf32>
      %swap3A_67 = vector.shape_cast %broadcast_in_dim3A_1 : vector<16xf32> to vector<1x16xf32>
      tpu.vector_store %arg9[%swap3A_63, %swap3A_64], %swap3A_67 {strides = array<i32>} : memref<64x128xf32, #tpu.memory_space<vmem>>, vector<1x16xf32>,
      %swap3A_68 = arith.index_cast %scan3A_58 : i32 to index
      %swap3A_69 = arith.constant 32 : index
      %swap3A_70 = tpu.vector_load %arg9[%swap3A_68, %swap3A_69] {strides = array<i32>} : memref<64x128xf32, #tpu.memory_space<vmem>>, vector<1x16xf32>,
      %swap3A_71 = vector.shape_cast %swap3A_70 : vector<1x16xf32> to vector<16xf32>
      %swap3A_72 = vector.shape_cast %broadcast_in_dim3A_1 : vector<16xf32> to vector<1x16xf32>
      tpu.vector_store %arg9[%swap3A_68, %swap3A_69], %swap3A_72 {strides = array<i32>} : memref<64x128xf32, #tpu.memory_space<vmem>>, vector<1x16xf32>,
      %swap3A_73 = arith.index_cast %scan3A_58 : i32 to index
      %swap3A_74 = arith.constant 48 : index
      %swap3A_75 = tpu.vector_load %arg9[%swap3A_73, %swap3A_74] {strides = array<i32>} : memref<64x128xf32, #tpu.memory_space<vmem>>, vector<1x16xf32>,
      %swap3A_76 = vector.shape_cast %swap3A_75 : vector<1x16xf32> to vector<16xf32>
      %swap3A_77 = vector.shape_cast %broadcast_in_dim3A_1 : vector<16xf32> to vector<1x16xf32>
      tpu.vector_store %arg9[%swap3A_73, %swap3A_74], %swap3A_77 {strides = array<i32>} : memref<64x128xf32, #tpu.memory_space<vmem>>, vector<1x16xf32>,
      %swap3A_78 = arith.index_cast %scan3A_58 : i32 to index
      %swap3A_79 = arith.constant 64 : index
      %swap3A_80 = tpu.vector_load %arg9[%swap3A_78, %swap3A_79] {strides = array<i32>} : memref<64x128xf32, #tpu.memory_space<vmem>>, vector<1x16xf32>,
      %swap3A_81 = vector.shape_cast %swap3A_80 : vector<1x16xf32> to vector<16xf32>
      %swap3A_82 = vector.shape_cast %broadcast_in_dim3A_1 : vector<16xf32> to vector<1x16xf32>
      tpu.vector_store %arg9[%swap3A_78, %swap3A_79], %swap3A_82 {strides = array<i32>} : memref<64x128xf32, #tpu.memory_space<vmem>>, vector<1x16xf32>,
      %swap3A_83 = arith.index_cast %scan3A_58 : i32 to index
      %swap3A_84 = arith.constant 80 : index
      %swap3A_85 = tpu.vector_load %arg9[%swap3A_83, %swap3A_84] {strides = array<i32>} : memref<64x128xf32, #tpu.memory_space<vmem>>, vector<1x16xf32>,
      %swap3A_86 = vector.shape_cast %swap3A_85 : vector<1x16xf32> to vector<16xf32>
      %swap3A_87 = vector.shape_cast %broadcast_in_dim3A_1 : vector<16xf32> to vector<1x16xf32>
      tpu.vector_store %arg9[%swap3A_83, %swap3A_84], %swap3A_87 {strides = array<i32>} : memref<64x128xf32, #tpu.memory_space<vmem>>, vector<1x16xf32>,
      %swap3A_88 = arith.index_cast %scan3A_58 : i32 to index
      %swap3A_89 = arith.constant 96 : index
      %swap3A_90 = tpu.vector_load %arg9[%swap3A_88, %swap3A_89] {strides = array<i32>} : memref<64x128xf32, #tpu.memory_space<vmem>>, vector<1x16xf32>,
      %swap3A_91 = vector.shape_cast %swap3A_90 : vector<1x16xf32> to vector<16xf32>
      %swap3A_92 = vector.shape_cast %broadcast_in_dim3A_1 : vector<16xf32> to vector<1x16xf32>
      tpu.vector_store %arg9[%swap3A_88, %swap3A_89], %swap3A_92 {strides = array<i32>} : memref<64x128xf32, #tpu.memory_space<vmem>>, vector<1x16xf32>,
      %swap3A_93 = arith.index_cast %scan3A_58 : i32 to index
      %swap3A_94 = arith.constant 112 : index
      %swap3A_95 = tpu.vector_load %arg9[%swap3A_93, %swap3A_94] {strides = array<i32>} : memref<64x128xf32, #tpu.memory_space<vmem>>, vector<1x16xf32>,
      %swap3A_96 = vector.shape_cast %swap3A_95 : vector<1x16xf32> to vector<16xf32>
      %swap3A_97 = vector.shape_cast %broadcast_in_dim3A_1 : vector<16xf32> to vector<1x16xf32>
      tpu.vector_store %arg9[%swap3A_93, %swap3A_94], %swap3A_97 {strides = array<i32>} : memref<64x128xf32, #tpu.memory_space<vmem>>, vector<1x16xf32>,
    }
    %scan3A_6 = arith.constant 64 : i32
    %mul3A_7 = arith.constant 640 : i32
    %mul3A_8 = arith.muli %arg1, %mul3A_7 : i32
    %add3A_9 = arith.constant 0 : i32
    %add3A_10 = arith.addi %mul3A_8, %add3A_9 : i32
    "tpu.region"() ({
      %run_scoped3A = tpu.sem_alloc : memref<!tpu.dma_semaphore, #tpu.memory_space<semaphore_mem>>
      %dma_start3A = arith.constant 0 : i32
      %dma_start3A_58 = tpu.memref_slice %arg10[%add3A_10, %dma_start3A] : memref<10240x128xf32, #tpu.memory_space<vmem_shared>> -> memref<64x128xf32, #tpu.memory_space<vmem_shared>>
      %dma_start3A_59 = arith.constant 0 : i32
      %dma_start3A_60 = tpu.memref_slice %arg10[%add3A_10, %dma_start3A_59] : memref<10240x128xf32, #tpu.memory_space<vmem_shared>> -> memref<64x128xf32, #tpu.memory_space<vmem_shared>>
      tpu.enqueue_dma source(%arg9 : memref<64x128xf32, #tpu.memory_space<vmem>>) target(%dma_start3A_60 : memref<64x128xf32, #tpu.memory_space<vmem_shared>>) target_semaphore(%run_scoped3A : memref<!tpu.dma_semaphore, #tpu.memory_space<semaphore_mem>>)
      %dma_wait3A = arith.constant 0 : i32
      %dma_wait3A_61 = tpu.memref_slice %arg10[%add3A_10, %dma_wait3A] : memref<10240x128xf32, #tpu.memory_space<vmem_shared>> -> memref<64x128xf32, #tpu.memory_space<vmem_shared>>
      %dma_wait3A_62 = arith.constant 0 : i32
      %dma_wait3A_63 = tpu.memref_slice %arg10[%add3A_10, %dma_wait3A_62] : memref<10240x128xf32, #tpu.memory_space<vmem_shared>> -> memref<64x128xf32, #tpu.memory_space<vmem_shared>>
      tpu.wait_dma2 semaphore(%run_scoped3A : memref<!tpu.dma_semaphore, #tpu.memory_space<semaphore_mem>>) src(%arg9 : memref<64x128xf32, #tpu.memory_space<vmem>>) dst(%dma_wait3A_63 : memref<64x128xf32, #tpu.memory_space<vmem_shared>>)
      tpu.yield
    }) : () -> ()
    %mul3A_11 = arith.constant 640 : i32
    %mul3A_12 = arith.muli %arg1, %mul3A_11 : i32
    %add3A_13 = arith.constant 64 : i32
    %add3A_14 = arith.addi %mul3A_12, %add3A_13 : i32
    "tpu.region"() ({
      %run_scoped3A = tpu.sem_alloc : memref<!tpu.dma_semaphore, #tpu.memory_space<semaphore_mem>>
      %dma_start3A = arith.constant 0 : i32
      %dma_start3A_58 = tpu.memref_slice %arg10[%add3A_14, %dma_start3A] : memref<10240x128xf32, #tpu.memory_space<vmem_shared>> -> memref<64x128xf32, #tpu.memory_space<vmem_shared>>
      %dma_start3A_59 = arith.constant 0 : i32
      %dma_start3A_60 = tpu.memref_slice %arg10[%add3A_14, %dma_start3A_59] : memref<10240x128xf32, #tpu.memory_space<vmem_shared>> -> memref<64x128xf32, #tpu.memory_space<vmem_shared>>
      tpu.enqueue_dma source(%arg9 : memref<64x128xf32, #tpu.memory_space<vmem>>) target(%dma_start3A_60 : memref<64x128xf32, #tpu.memory_space<vmem_shared>>) target_semaphore(%run_scoped3A : memref<!tpu.dma_semaphore, #tpu.memory_space<semaphore_mem>>)
      %dma_wait3A = arith.constant 0 : i32
      %dma_wait3A_61 = tpu.memref_slice %arg10[%add3A_14, %dma_wait3A] : memref<10240x128xf32, #tpu.memory_space<vmem_shared>> -> memref<64x128xf32, #tpu.memory_space<vmem_shared>>
      %dma_wait3A_62 = arith.constant 0 : i32
      %dma_wait3A_63 = tpu.memref_slice %arg10[%add3A_14, %dma_wait3A_62] : memref<10240x128xf32, #tpu.memory_space<vmem_shared>> -> memref<64x128xf32, #tpu.memory_space<vmem_shared>>
      tpu.wait_dma2 semaphore(%run_scoped3A : memref<!tpu.dma_semaphore, #tpu.memory_space<semaphore_mem>>) src(%arg9 : memref<64x128xf32, #tpu.memory_space<vmem>>) dst(%dma_wait3A_63 : memref<64x128xf32, #tpu.memory_space<vmem_shared>>)
      tpu.yield
    }) : () -> ()
    %mul3A_15 = arith.constant 640 : i32
    %mul3A_16 = arith.muli %arg1, %mul3A_15 : i32
    %add3A_17 = arith.constant 128 : i32
    %add3A_18 = arith.addi %mul3A_16, %add3A_17 : i32
    "tpu.region"() ({
      %run_scoped3A = tpu.sem_alloc : memref<!tpu.dma_semaphore, #tpu.memory_space<semaphore_mem>>
      %dma_start3A = arith.constant 0 : i32
      %dma_start3A_58 = tpu.memref_slice %arg10[%add3A_18, %dma_start3A] : memref<10240x128xf32, #tpu.memory_space<vmem_shared>> -> memref<64x128xf32, #tpu.memory_space<vmem_shared>>
      %dma_start3A_59 = arith.constant 0 : i32
      %dma_start3A_60 = tpu.memref_slice %arg10[%add3A_18, %dma_start3A_59] : memref<10240x128xf32, #tpu.memory_space<vmem_shared>> -> memref<64x128xf32, #tpu.memory_space<vmem_shared>>
      tpu.enqueue_dma source(%arg9 : memref<64x128xf32, #tpu.memory_space<vmem>>) target(%dma_start3A_60 : memref<64x128xf32, #tpu.memory_space<vmem_shared>>) target_semaphore(%run_scoped3A : memref<!tpu.dma_semaphore, #tpu.memory_space<semaphore_mem>>)
      %dma_wait3A = arith.constant 0 : i32
      %dma_wait3A_61 = tpu.memref_slice %arg10[%add3A_18, %dma_wait3A] : memref<10240x128xf32, #tpu.memory_space<vmem_shared>> -> memref<64x128xf32, #tpu.memory_space<vmem_shared>>
      %dma_wait3A_62 = arith.constant 0 : i32
      %dma_wait3A_63 = tpu.memref_slice %arg10[%add3A_18, %dma_wait3A_62] : memref<10240x128xf32, #tpu.memory_space<vmem_shared>> -> memref<64x128xf32, #tpu.memory_space<vmem_shared>>
      tpu.wait_dma2 semaphore(%run_scoped3A : memref<!tpu.dma_semaphore, #tpu.memory_space<semaphore_mem>>) src(%arg9 : memref<64x128xf32, #tpu.memory_space<vmem>>) dst(%dma_wait3A_63 : memref<64x128xf32, #tpu.memory_space<vmem_shared>>)
      tpu.yield
    }) : () -> ()
    %mul3A_19 = arith.constant 640 : i32
    %mul3A_20 = arith.muli %arg1, %mul3A_19 : i32
    %add3A_21 = arith.constant 192 : i32
    %add3A_22 = arith.addi %mul3A_20, %add3A_21 : i32
    "tpu.region"() ({
      %run_scoped3A = tpu.sem_alloc : memref<!tpu.dma_semaphore, #tpu.memory_space<semaphore_mem>>
      %dma_start3A = arith.constant 0 : i32
      %dma_start3A_58 = tpu.memref_slice %arg10[%add3A_22, %dma_start3A] : memref<10240x128xf32, #tpu.memory_space<vmem_shared>> -> memref<64x128xf32, #tpu.memory_space<vmem_shared>>
      %dma_start3A_59 = arith.constant 0 : i32
      %dma_start3A_60 = tpu.memref_slice %arg10[%add3A_22, %dma_start3A_59] : memref<10240x128xf32, #tpu.memory_space<vmem_shared>> -> memref<64x128xf32, #tpu.memory_space<vmem_shared>>
      tpu.enqueue_dma source(%arg9 : memref<64x128xf32, #tpu.memory_space<vmem>>) target(%dma_start3A_60 : memref<64x128xf32, #tpu.memory_space<vmem_shared>>) target_semaphore(%run_scoped3A : memref<!tpu.dma_semaphore, #tpu.memory_space<semaphore_mem>>)
      %dma_wait3A = arith.constant 0 : i32
      %dma_wait3A_61 = tpu.memref_slice %arg10[%add3A_22, %dma_wait3A] : memref<10240x128xf32, #tpu.memory_space<vmem_shared>> -> memref<64x128xf32, #tpu.memory_space<vmem_shared>>
      %dma_wait3A_62 = arith.constant 0 : i32
      %dma_wait3A_63 = tpu.memref_slice %arg10[%add3A_22, %dma_wait3A_62] : memref<10240x128xf32, #tpu.memory_space<vmem_shared>> -> memref<64x128xf32, #tpu.memory_space<vmem_shared>>
      tpu.wait_dma2 semaphore(%run_scoped3A : memref<!tpu.dma_semaphore, #tpu.memory_space<semaphore_mem>>) src(%arg9 : memref<64x128xf32, #tpu.memory_space<vmem>>) dst(%dma_wait3A_63 : memref<64x128xf32, #tpu.memory_space<vmem_shared>>)
      tpu.yield
    }) : () -> ()
    %mul3A_23 = arith.constant 640 : i32
    %mul3A_24 = arith.muli %arg1, %mul3A_23 : i32
    %add3A_25 = arith.constant 256 : i32
    %add3A_26 = arith.addi %mul3A_24, %add3A_25 : i32
    "tpu.region"() ({
      %run_scoped3A = tpu.sem_alloc : memref<!tpu.dma_semaphore, #tpu.memory_space<semaphore_mem>>
      %dma_start3A = arith.constant 0 : i32
      %dma_start3A_58 = tpu.memref_slice %arg10[%add3A_26, %dma_start3A] : memref<10240x128xf32, #tpu.memory_space<vmem_shared>> -> memref<64x128xf32, #tpu.memory_space<vmem_shared>>
      %dma_start3A_59 = arith.constant 0 : i32
      %dma_start3A_60 = tpu.memref_slice %arg10[%add3A_26, %dma_start3A_59] : memref<10240x128xf32, #tpu.memory_space<vmem_shared>> -> memref<64x128xf32, #tpu.memory_space<vmem_shared>>
      tpu.enqueue_dma source(%arg9 : memref<64x128xf32, #tpu.memory_space<vmem>>) target(%dma_start3A_60 : memref<64x128xf32, #tpu.memory_space<vmem_shared>>) target_semaphore(%run_scoped3A : memref<!tpu.dma_semaphore, #tpu.memory_space<semaphore_mem>>)
      %dma_wait3A = arith.constant 0 : i32
      %dma_wait3A_61 = tpu.memref_slice %arg10[%add3A_26, %dma_wait3A] : memref<10240x128xf32, #tpu.memory_space<vmem_shared>> -> memref<64x128xf32, #tpu.memory_space<vmem_shared>>
      %dma_wait3A_62 = arith.constant 0 : i32
      %dma_wait3A_63 = tpu.memref_slice %arg10[%add3A_26, %dma_wait3A_62] : memref<10240x128xf32, #tpu.memory_space<vmem_shared>> -> memref<64x128xf32, #tpu.memory_space<vmem_shared>>
      tpu.wait_dma2 semaphore(%run_scoped3A : memref<!tpu.dma_semaphore, #tpu.memory_space<semaphore_mem>>) src(%arg9 : memref<64x128xf32, #tpu.memory_space<vmem>>) dst(%dma_wait3A_63 : memref<64x128xf32, #tpu.memory_space<vmem_shared>>)
      tpu.yield
    }) : () -> ()
    %mul3A_27 = arith.constant 640 : i32
    %mul3A_28 = arith.muli %arg1, %mul3A_27 : i32
    %add3A_29 = arith.constant 320 : i32
    %add3A_30 = arith.addi %mul3A_28, %add3A_29 : i32
    "tpu.region"() ({
      %run_scoped3A = tpu.sem_alloc : memref<!tpu.dma_semaphore, #tpu.memory_space<semaphore_mem>>
      %dma_start3A = arith.constant 0 : i32
      %dma_start3A_58 = tpu.memref_slice %arg10[%add3A_30, %dma_start3A] : memref<10240x128xf32, #tpu.memory_space<vmem_shared>> -> memref<64x128xf32, #tpu.memory_space<vmem_shared>>
      %dma_start3A_59 = arith.constant 0 : i32
      %dma_start3A_60 = tpu.memref_slice %arg10[%add3A_30, %dma_start3A_59] : memref<10240x128xf32, #tpu.memory_space<vmem_shared>> -> memref<64x128xf32, #tpu.memory_space<vmem_shared>>
      tpu.enqueue_dma source(%arg9 : memref<64x128xf32, #tpu.memory_space<vmem>>) target(%dma_start3A_60 : memref<64x128xf32, #tpu.memory_space<vmem_shared>>) target_semaphore(%run_scoped3A : memref<!tpu.dma_semaphore, #tpu.memory_space<semaphore_mem>>)
      %dma_wait3A = arith.constant 0 : i32
      %dma_wait3A_61 = tpu.memref_slice %arg10[%add3A_30, %dma_wait3A] : memref<10240x128xf32, #tpu.memory_space<vmem_shared>> -> memref<64x128xf32, #tpu.memory_space<vmem_shared>>
      %dma_wait3A_62 = arith.constant 0 : i32
      %dma_wait3A_63 = tpu.memref_slice %arg10[%add3A_30, %dma_wait3A_62] : memref<10240x128xf32, #tpu.memory_space<vmem_shared>> -> memref<64x128xf32, #tpu.memory_space<vmem_shared>>
      tpu.wait_dma2 semaphore(%run_scoped3A : memref<!tpu.dma_semaphore, #tpu.memory_space<semaphore_mem>>) src(%arg9 : memref<64x128xf32, #tpu.memory_space<vmem>>) dst(%dma_wait3A_63 : memref<64x128xf32, #tpu.memory_space<vmem_shared>>)
      tpu.yield
    }) : () -> ()
    %mul3A_31 = arith.constant 640 : i32
    %mul3A_32 = arith.muli %arg1, %mul3A_31 : i32
    %add3A_33 = arith.constant 384 : i32
    %add3A_34 = arith.addi %mul3A_32, %add3A_33 : i32
    "tpu.region"() ({
      %run_scoped3A = tpu.sem_alloc : memref<!tpu.dma_semaphore, #tpu.memory_space<semaphore_mem>>
      %dma_start3A = arith.constant 0 : i32
      %dma_start3A_58 = tpu.memref_slice %arg10[%add3A_34, %dma_start3A] : memref<10240x128xf32, #tpu.memory_space<vmem_shared>> -> memref<64x128xf32, #tpu.memory_space<vmem_shared>>
      %dma_start3A_59 = arith.constant 0 : i32
      %dma_start3A_60 = tpu.memref_slice %arg10[%add3A_34, %dma_start3A_59] : memref<10240x128xf32, #tpu.memory_space<vmem_shared>> -> memref<64x128xf32, #tpu.memory_space<vmem_shared>>
      tpu.enqueue_dma source(%arg9 : memref<64x128xf32, #tpu.memory_space<vmem>>) target(%dma_start3A_60 : memref<64x128xf32, #tpu.memory_space<vmem_shared>>) target_semaphore(%run_scoped3A : memref<!tpu.dma_semaphore, #tpu.memory_space<semaphore_mem>>)
      %dma_wait3A = arith.constant 0 : i32
      %dma_wait3A_61 = tpu.memref_slice %arg10[%add3A_34, %dma_wait3A] : memref<10240x128xf32, #tpu.memory_space<vmem_shared>> -> memref<64x128xf32, #tpu.memory_space<vmem_shared>>
      %dma_wait3A_62 = arith.constant 0 : i32
      %dma_wait3A_63 = tpu.memref_slice %arg10[%add3A_34, %dma_wait3A_62] : memref<10240x128xf32, #tpu.memory_space<vmem_shared>> -> memref<64x128xf32, #tpu.memory_space<vmem_shared>>
      tpu.wait_dma2 semaphore(%run_scoped3A : memref<!tpu.dma_semaphore, #tpu.memory_space<semaphore_mem>>) src(%arg9 : memref<64x128xf32, #tpu.memory_space<vmem>>) dst(%dma_wait3A_63 : memref<64x128xf32, #tpu.memory_space<vmem_shared>>)
      tpu.yield
    }) : () -> ()
    %mul3A_35 = arith.constant 640 : i32
    %mul3A_36 = arith.muli %arg1, %mul3A_35 : i32
    %add3A_37 = arith.constant 448 : i32
    %add3A_38 = arith.addi %mul3A_36, %add3A_37 : i32
    "tpu.region"() ({
      %run_scoped3A = tpu.sem_alloc : memref<!tpu.dma_semaphore, #tpu.memory_space<semaphore_mem>>
      %dma_start3A = arith.constant 0 : i32
      %dma_start3A_58 = tpu.memref_slice %arg10[%add3A_38, %dma_start3A] : memref<10240x128xf32, #tpu.memory_space<vmem_shared>> -> memref<64x128xf32, #tpu.memory_space<vmem_shared>>
      %dma_start3A_59 = arith.constant 0 : i32
      %dma_start3A_60 = tpu.memref_slice %arg10[%add3A_38, %dma_start3A_59] : memref<10240x128xf32, #tpu.memory_space<vmem_shared>> -> memref<64x128xf32, #tpu.memory_space<vmem_shared>>
      tpu.enqueue_dma source(%arg9 : memref<64x128xf32, #tpu.memory_space<vmem>>) target(%dma_start3A_60 : memref<64x128xf32, #tpu.memory_space<vmem_shared>>) target_semaphore(%run_scoped3A : memref<!tpu.dma_semaphore, #tpu.memory_space<semaphore_mem>>)
      %dma_wait3A = arith.constant 0 : i32
      %dma_wait3A_61 = tpu.memref_slice %arg10[%add3A_38, %dma_wait3A] : memref<10240x128xf32, #tpu.memory_space<vmem_shared>> -> memref<64x128xf32, #tpu.memory_space<vmem_shared>>
      %dma_wait3A_62 = arith.constant 0 : i32
      %dma_wait3A_63 = tpu.memref_slice %arg10[%add3A_38, %dma_wait3A_62] : memref<10240x128xf32, #tpu.memory_space<vmem_shared>> -> memref<64x128xf32, #tpu.memory_space<vmem_shared>>
      tpu.wait_dma2 semaphore(%run_scoped3A : memref<!tpu.dma_semaphore, #tpu.memory_space<semaphore_mem>>) src(%arg9 : memref<64x128xf32, #tpu.memory_space<vmem>>) dst(%dma_wait3A_63 : memref<64x128xf32, #tpu.memory_space<vmem_shared>>)
      tpu.yield
    }) : () -> ()
    %mul3A_39 = arith.constant 640 : i32
    %mul3A_40 = arith.muli %arg1, %mul3A_39 : i32
    %add3A_41 = arith.constant 512 : i32
    %add3A_42 = arith.addi %mul3A_40, %add3A_41 : i32
    "tpu.region"() ({
      %run_scoped3A = tpu.sem_alloc : memref<!tpu.dma_semaphore, #tpu.memory_space<semaphore_mem>>
      %dma_start3A = arith.constant 0 : i32
      %dma_start3A_58 = tpu.memref_slice %arg10[%add3A_42, %dma_start3A] : memref<10240x128xf32, #tpu.memory_space<vmem_shared>> -> memref<64x128xf32, #tpu.memory_space<vmem_shared>>
      %dma_start3A_59 = arith.constant 0 : i32
      %dma_start3A_60 = tpu.memref_slice %arg10[%add3A_42, %dma_start3A_59] : memref<10240x128xf32, #tpu.memory_space<vmem_shared>> -> memref<64x128xf32, #tpu.memory_space<vmem_shared>>
      tpu.enqueue_dma source(%arg9 : memref<64x128xf32, #tpu.memory_space<vmem>>) target(%dma_start3A_60 : memref<64x128xf32, #tpu.memory_space<vmem_shared>>) target_semaphore(%run_scoped3A : memref<!tpu.dma_semaphore, #tpu.memory_space<semaphore_mem>>)
      %dma_wait3A = arith.constant 0 : i32
      %dma_wait3A_61 = tpu.memref_slice %arg10[%add3A_42, %dma_wait3A] : memref<10240x128xf32, #tpu.memory_space<vmem_shared>> -> memref<64x128xf32, #tpu.memory_space<vmem_shared>>
      %dma_wait3A_62 = arith.constant 0 : i32
      %dma_wait3A_63 = tpu.memref_slice %arg10[%add3A_42, %dma_wait3A_62] : memref<10240x128xf32, #tpu.memory_space<vmem_shared>> -> memref<64x128xf32, #tpu.memory_space<vmem_shared>>
      tpu.wait_dma2 semaphore(%run_scoped3A : memref<!tpu.dma_semaphore, #tpu.memory_space<semaphore_mem>>) src(%arg9 : memref<64x128xf32, #tpu.memory_space<vmem>>) dst(%dma_wait3A_63 : memref<64x128xf32, #tpu.memory_space<vmem_shared>>)
      tpu.yield
    }) : () -> ()
    %mul3A_43 = arith.constant 640 : i32
    %mul3A_44 = arith.muli %arg1, %mul3A_43 : i32
    %add3A_45 = arith.constant 576 : i32
    %add3A_46 = arith.addi %mul3A_44, %add3A_45 : i32
    "tpu.region"() ({
      %run_scoped3A = tpu.sem_alloc : memref<!tpu.dma_semaphore, #tpu.memory_space<semaphore_mem>>
      %dma_start3A = arith.constant 0 : i32
      %dma_start3A_58 = tpu.memref_slice %arg10[%add3A_46, %dma_start3A] : memref<10240x128xf32, #tpu.memory_space<vmem_shared>> -> memref<64x128xf32, #tpu.memory_space<vmem_shared>>
      %dma_start3A_59 = arith.constant 0 : i32
      %dma_start3A_60 = tpu.memref_slice %arg10[%add3A_46, %dma_start3A_59] : memref<10240x128xf32, #tpu.memory_space<vmem_shared>> -> memref<64x128xf32, #tpu.memory_space<vmem_shared>>
      tpu.enqueue_dma source(%arg9 : memref<64x128xf32, #tpu.memory_space<vmem>>) target(%dma_start3A_60 : memref<64x128xf32, #tpu.memory_space<vmem_shared>>) target_semaphore(%run_scoped3A : memref<!tpu.dma_semaphore, #tpu.memory_space<semaphore_mem>>)
      %dma_wait3A = arith.constant 0 : i32
      %dma_wait3A_61 = tpu.memref_slice %arg10[%add3A_46, %dma_wait3A] : memref<10240x128xf32, #tpu.memory_space<vmem_shared>> -> memref<64x128xf32, #tpu.memory_space<vmem_shared>>
      %dma_wait3A_62 = arith.constant 0 : i32
      %dma_wait3A_63 = tpu.memref_slice %arg10[%add3A_46, %dma_wait3A_62] : memref<10240x128xf32, #tpu.memory_space<vmem_shared>> -> memref<64x128xf32, #tpu.memory_space<vmem_shared>>
      tpu.wait_dma2 semaphore(%run_scoped3A : memref<!tpu.dma_semaphore, #tpu.memory_space<semaphore_mem>>) src(%arg9 : memref<64x128xf32, #tpu.memory_space<vmem>>) dst(%dma_wait3A_63 : memref<64x128xf32, #tpu.memory_space<vmem_shared>>)
      tpu.yield
    }) : () -> ()
    %barrier3A = arith.constant 0 : index
    tpu.barrier barrier_id(%barrier3A)
    %scan3A_47 = arith.constant 0 : i32
    %scan3A_48 = arith.constant 0 : i32
    %scan3A_49 = arith.constant 79 : i32
    %scan3A_50 = arith.addi %scan3A_48, %scan3A_49 : i32
    %scan3A_51 = arith.constant 1 : i32
    scf.for %scan3A_58 = %scan3A_48 to %scan3A_50 step %scan3A_51  : i32 {
      %dma_start3A = arith.constant 0 : i32
      %dma_start3A_59 = tpu.memref_slice %arg6[%scan3A_58, %dma_start3A] : memref<79x128xi32, #tpu.memory_space<vmem>> -> memref<1x128xi32, #tpu.memory_space<vmem>>
      %dma_start3A_60 = tpu.memref_squeeze %dma_start3A_59 : memref<1x128xi32, #tpu.memory_space<vmem>> -> memref<128xi32, #tpu.memory_space<vmem>>
      %dma_start3A_61 = arith.constant 0 : i32
      %dma_start3A_62 = arith.constant 0 : i32
      %dma_start3A_63 = tpu.memref_slice %arg2[%dma_start3A_61, %dma_start3A_62] : memref<10000x128xf32, #tpu.memory_space<hbm>> -> memref<10000x128xf32, #tpu.memory_space<hbm>>
      tpu.enqueue_indirect_dma source(%dma_start3A_63 : memref<10000x128xf32, #tpu.memory_space<hbm>>) target(%arg8 : memref<128x128xf32, #tpu.memory_space<vmem>>) offsets(%dma_start3A_60 : memref<128xi32, #tpu.memory_space<vmem>>) semaphore(%arg11 : memref<!tpu.dma_semaphore, #tpu.memory_space<semaphore_mem>>)
      %dma_wait3A = arith.constant 0 : i32
      %dma_wait3A_64 = tpu.memref_slice %arg6[%scan3A_58, %dma_wait3A] : memref<79x128xi32, #tpu.memory_space<vmem>> -> memref<1x128xi32, #tpu.memory_space<vmem>>
      %dma_wait3A_65 = tpu.memref_squeeze %dma_wait3A_64 : memref<1x128xi32, #tpu.memory_space<vmem>> -> memref<128xi32, #tpu.memory_space<vmem>>
      %dma_wait3A_66 = arith.constant 0 : i32
      %dma_wait3A_67 = arith.constant 0 : i32
      %dma_wait3A_68 = tpu.memref_slice %arg2[%dma_wait3A_66, %dma_wait3A_67] : memref<10000x128xf32, #tpu.memory_space<hbm>> -> memref<10000x128xf32, #tpu.memory_space<hbm>>
      tpu.wait_indirect_dma semaphore(%arg11 : memref<!tpu.dma_semaphore, #tpu.memory_space<semaphore_mem>>) src(%dma_wait3A_68 : memref<10000x128xf32, #tpu.memory_space<hbm>>) dst(%arg8 : memref<128x128xf32, #tpu.memory_space<vmem>>)
      "tpu.region"() ({
        %run_scoped3A = tpu.sem_alloc : memref<!tpu.dma_semaphore, #tpu.memory_space<semaphore_mem>>
        %dma_start3A_69 = arith.constant 0 : i32
        %dma_start3A_70 = tpu.memref_slice %arg7[%scan3A_58, %dma_start3A_69] : memref<79x128xi32, #tpu.memory_space<vmem>> -> memref<1x128xi32, #tpu.memory_space<vmem>>
        %dma_start3A_71 = tpu.memref_squeeze %dma_start3A_70 : memref<1x128xi32, #tpu.memory_space<vmem>> -> memref<128xi32, #tpu.memory_space<vmem>>
        %dma_start3A_72 = arith.constant 0 : i32
        %dma_start3A_73 = arith.constant 0 : i32
        %dma_start3A_74 = tpu.memref_slice %arg10[%dma_start3A_72, %dma_start3A_73] : memref<10240x128xf32, #tpu.memory_space<vmem_shared>> -> memref<10240x128xf32, #tpu.memory_space<vmem_shared>>
        tpu.enqueue_indirect_dma source(%arg8 : memref<128x128xf32, #tpu.memory_space<vmem>>) target(%dma_start3A_74 : memref<10240x128xf32, #tpu.memory_space<vmem_shared>>) offsets(%dma_start3A_71 : memref<128xi32, #tpu.memory_space<vmem>>) semaphore(%run_scoped3A : memref<!tpu.dma_semaphore, #tpu.memory_space<semaphore_mem>>) {add = true}
        %dma_wait3A_75 = arith.constant 0 : i32
        %dma_wait3A_76 = tpu.memref_slice %arg7[%scan3A_58, %dma_wait3A_75] : memref<79x128xi32, #tpu.memory_space<vmem>> -> memref<1x128xi32, #tpu.memory_space<vmem>>
        %dma_wait3A_77 = tpu.memref_squeeze %dma_wait3A_76 : memref<1x128xi32, #tpu.memory_space<vmem>> -> memref<128xi32, #tpu.memory_space<vmem>>
        %dma_wait3A_78 = arith.constant 0 : i32
        %dma_wait3A_79 = arith.constant 0 : i32
        %dma_wait3A_80 = tpu.memref_slice %arg10[%dma_wait3A_78, %dma_wait3A_79] : memref<10240x128xf32, #tpu.memory_space<vmem_shared>> -> memref<10240x128xf32, #tpu.memory_space<vmem_shared>>
        tpu.wait_indirect_dma semaphore(%run_scoped3A : memref<!tpu.dma_semaphore, #tpu.memory_space<semaphore_mem>>) src(%arg8 : memref<128x128xf32, #tpu.memory_space<vmem>>) dst(%dma_wait3A_80 : memref<10240x128xf32, #tpu.memory_space<vmem_shared>>)
        tpu.yield
      }) : () -> ()
    }
    %scan3A_52 = arith.constant 79 : i32
    %barrier3A_53 = arith.constant 0 : index
    tpu.barrier barrier_id(%barrier3A_53)
    %mul3A_54 = arith.constant 640 : i32
    %mul3A_55 = arith.muli %arg1, %mul3A_54 : i32
    %mul3A_56 = arith.constant 640 : i32
    %mul3A_57 = arith.muli %arg1, %mul3A_56 : i32
    "tpu.region"() ({
      %run_scoped3A = tpu.sem_alloc : memref<!tpu.dma_semaphore, #tpu.memory_space<semaphore_mem>>
      %dma_start3A = arith.constant 0 : i32
      %dma_start3A_58 = tpu.memref_slice %arg5[%arg0, %mul3A_57, %dma_start3A] : memref<2x10240x128xf32, #tpu.memory_space<hbm>> -> memref<1x640x128xf32, #tpu.memory_space<hbm>>
      %dma_start3A_59 = tpu.memref_squeeze %dma_start3A_58 : memref<1x640x128xf32, #tpu.memory_space<hbm>> -> memref<640x128xf32, #tpu.memory_space<hbm>>
      %dma_start3A_60 = arith.constant 0 : i32
      %dma_start3A_61 = tpu.memref_slice %arg10[%mul3A_55, %dma_start3A_60] : memref<10240x128xf32, #tpu.memory_space<vmem_shared>> -> memref<640x128xf32, #tpu.memory_space<vmem_shared>>
      tpu.enqueue_dma source(%dma_start3A_61 : memref<640x128xf32, #tpu.memory_space<vmem_shared>>) target(%dma_start3A_59 : memref<640x128xf32, #tpu.memory_space<hbm>>) target_semaphore(%run_scoped3A : memref<!tpu.dma_semaphore, #tpu.memory_space<semaphore_mem>>)
      %dma_wait3A = arith.constant 0 : i32
      %dma_wait3A_62 = tpu.memref_slice %arg5[%arg0, %mul3A_57, %dma_wait3A] : memref<2x10240x128xf32, #tpu.memory_space<hbm>> -> memref<1x640x128xf32, #tpu.memory_space<hbm>>
      %dma_wait3A_63 = tpu.memref_squeeze %dma_wait3A_62 : memref<1x640x128xf32, #tpu.memory_space<hbm>> -> memref<640x128xf32, #tpu.memory_space<hbm>>
      %dma_wait3A_64 = arith.constant 0 : i32
      %dma_wait3A_65 = tpu.memref_slice %arg10[%mul3A_55, %dma_wait3A_64] : memref<10240x128xf32, #tpu.memory_space<vmem_shared>> -> memref<640x128xf32, #tpu.memory_space<vmem_shared>>
      tpu.wait_dma2 semaphore(%run_scoped3A : memref<!tpu.dma_semaphore, #tpu.memory_space<semaphore_mem>>) src(%dma_wait3A_65 : memref<640x128xf32, #tpu.memory_space<vmem_shared>>) dst(%dma_wait3A_63 : memref<640x128xf32, #tpu.memory_space<hbm>>)
      tpu.yield
    }) : () -> ()
    return
  }
}

#map = affine_map<(d0, d1) -> (0, 0, 0)>
#map1 = affine_map<(d0, d1) -> (0, 0)>
module attributes {stable_mosaic.version = 14 : i64} {
  func.func @deg_kernel(%arg0: i32, %arg1: i32, %arg2: memref<32x79x128xi32, #tpu.memory_space<hbm>>, %arg3: memref<2x10240xf32, #tpu.memory_space<hbm>>, %arg4: memref<79x128xi32, #tpu.memory_space<vmem>>, %arg5: memref<128xf32, #tpu.memory_space<vmem>>, %arg6: memref<640xf32, #tpu.memory_space<vmem>>, %arg7: memref<10240xf32, #tpu.memory_space<vmem_shared>>) attributes {dimension_semantics = [#tpu.dimension_semantics<core_parallel>, #tpu.dimension_semantics<subcore_parallel>], iteration_bounds = array<i64: 2, 16>, scalar_prefetch = 0 : i64, scratch_operands = 4 : i64, tpu.core_type = #tpu.core_type<sc_vector_subcore>, window_params = [{transform_indices = #map}, {transform_indices = #map1}]} {
    %mul3A = arith.constant 16 : i32
    %mul3A_0 = arith.muli %arg0, %mul3A : i32
    %add3A = arith.addi %mul3A_0, %arg1 : i32
    "tpu.region"() ({
      %run_scoped3A = tpu.sem_alloc : memref<!tpu.dma_semaphore, #tpu.memory_space<semaphore_mem>>
      %dma_start3A = arith.constant 0 : i32
      %dma_start3A_53 = arith.constant 0 : i32
      %dma_start3A_54 = tpu.memref_slice %arg2[%add3A, %dma_start3A, %dma_start3A_53] : memref<32x79x128xi32, #tpu.memory_space<hbm>> -> memref<1x79x128xi32, #tpu.memory_space<hbm>>
      %dma_start3A_55 = tpu.memref_squeeze %dma_start3A_54 : memref<1x79x128xi32, #tpu.memory_space<hbm>> -> memref<79x128xi32, #tpu.memory_space<hbm>>
      %dma_start3A_56 = arith.constant 0 : i32
      %dma_start3A_57 = arith.constant 0 : i32
      %dma_start3A_58 = tpu.memref_slice %arg2[%add3A, %dma_start3A_56, %dma_start3A_57] : memref<32x79x128xi32, #tpu.memory_space<hbm>> -> memref<1x79x128xi32, #tpu.memory_space<hbm>>
      %dma_start3A_59 = tpu.memref_squeeze %dma_start3A_58 : memref<1x79x128xi32, #tpu.memory_space<hbm>> -> memref<79x128xi32, #tpu.memory_space<hbm>>
      tpu.enqueue_dma source(%dma_start3A_59 : memref<79x128xi32, #tpu.memory_space<hbm>>) target(%arg4 : memref<79x128xi32, #tpu.memory_space<vmem>>) target_semaphore(%run_scoped3A : memref<!tpu.dma_semaphore, #tpu.memory_space<semaphore_mem>>)
      %dma_wait3A = arith.constant 0 : i32
      %dma_wait3A_60 = arith.constant 0 : i32
      %dma_wait3A_61 = tpu.memref_slice %arg2[%add3A, %dma_wait3A, %dma_wait3A_60] : memref<32x79x128xi32, #tpu.memory_space<hbm>> -> memref<1x79x128xi32, #tpu.memory_space<hbm>>
      %dma_wait3A_62 = tpu.memref_squeeze %dma_wait3A_61 : memref<1x79x128xi32, #tpu.memory_space<hbm>> -> memref<79x128xi32, #tpu.memory_space<hbm>>
      %dma_wait3A_63 = arith.constant 0 : i32
      %dma_wait3A_64 = arith.constant 0 : i32
      %dma_wait3A_65 = tpu.memref_slice %arg2[%add3A, %dma_wait3A_63, %dma_wait3A_64] : memref<32x79x128xi32, #tpu.memory_space<hbm>> -> memref<1x79x128xi32, #tpu.memory_space<hbm>>
      %dma_wait3A_66 = tpu.memref_squeeze %dma_wait3A_65 : memref<1x79x128xi32, #tpu.memory_space<hbm>> -> memref<79x128xi32, #tpu.memory_space<hbm>>
      tpu.wait_dma2 semaphore(%run_scoped3A : memref<!tpu.dma_semaphore, #tpu.memory_space<semaphore_mem>>) src(%dma_wait3A_66 : memref<79x128xi32, #tpu.memory_space<hbm>>) dst(%arg4 : memref<79x128xi32, #tpu.memory_space<vmem>>)
      tpu.yield
    }) : () -> ()
    %broadcast_in_dim3A = arith.constant 1.000000e+00 : f32
    %broadcast_in_dim3A_1 = vector.broadcast %broadcast_in_dim3A : f32 to vector<16xf32>
    %broadcast_in_dim3A_2 = arith.constant 0.000000e+00 : f32
    %broadcast_in_dim3A_3 = vector.broadcast %broadcast_in_dim3A_2 : f32 to vector<16xf32>
    %swap3A = arith.constant 0 : index
    %swap3A_4 = tpu.vector_load %arg5[%swap3A] {strides = array<i32>} : memref<128xf32, #tpu.memory_space<vmem>>, vector<16xf32>,
    %swap3A_5 = vector.shape_cast %swap3A_4 : vector<16xf32> to vector<16xf32>
    %swap3A_6 = vector.shape_cast %broadcast_in_dim3A_1 : vector<16xf32> to vector<16xf32>
    tpu.vector_store %arg5[%swap3A], %swap3A_6 {strides = array<i32>} : memref<128xf32, #tpu.memory_space<vmem>>, vector<16xf32>,
    %swap3A_7 = arith.constant 16 : index
    %swap3A_8 = tpu.vector_load %arg5[%swap3A_7] {strides = array<i32>} : memref<128xf32, #tpu.memory_space<vmem>>, vector<16xf32>,
    %swap3A_9 = vector.shape_cast %swap3A_8 : vector<16xf32> to vector<16xf32>
    %swap3A_10 = vector.shape_cast %broadcast_in_dim3A_1 : vector<16xf32> to vector<16xf32>
    tpu.vector_store %arg5[%swap3A_7], %swap3A_10 {strides = array<i32>} : memref<128xf32, #tpu.memory_space<vmem>>, vector<16xf32>,
    %swap3A_11 = arith.constant 32 : index
    %swap3A_12 = tpu.vector_load %arg5[%swap3A_11] {strides = array<i32>} : memref<128xf32, #tpu.memory_space<vmem>>, vector<16xf32>,
    %swap3A_13 = vector.shape_cast %swap3A_12 : vector<16xf32> to vector<16xf32>
    %swap3A_14 = vector.shape_cast %broadcast_in_dim3A_1 : vector<16xf32> to vector<16xf32>
    tpu.vector_store %arg5[%swap3A_11], %swap3A_14 {strides = array<i32>} : memref<128xf32, #tpu.memory_space<vmem>>, vector<16xf32>,
    %swap3A_15 = arith.constant 48 : index
    %swap3A_16 = tpu.vector_load %arg5[%swap3A_15] {strides = array<i32>} : memref<128xf32, #tpu.memory_space<vmem>>, vector<16xf32>,
    %swap3A_17 = vector.shape_cast %swap3A_16 : vector<16xf32> to vector<16xf32>
    %swap3A_18 = vector.shape_cast %broadcast_in_dim3A_1 : vector<16xf32> to vector<16xf32>
    tpu.vector_store %arg5[%swap3A_15], %swap3A_18 {strides = array<i32>} : memref<128xf32, #tpu.memory_space<vmem>>, vector<16xf32>,
    %swap3A_19 = arith.constant 64 : index
    %swap3A_20 = tpu.vector_load %arg5[%swap3A_19] {strides = array<i32>} : memref<128xf32, #tpu.memory_space<vmem>>, vector<16xf32>,
    %swap3A_21 = vector.shape_cast %swap3A_20 : vector<16xf32> to vector<16xf32>
    %swap3A_22 = vector.shape_cast %broadcast_in_dim3A_1 : vector<16xf32> to vector<16xf32>
    tpu.vector_store %arg5[%swap3A_19], %swap3A_22 {strides = array<i32>} : memref<128xf32, #tpu.memory_space<vmem>>, vector<16xf32>,
    %swap3A_23 = arith.constant 80 : index
    %swap3A_24 = tpu.vector_load %arg5[%swap3A_23] {strides = array<i32>} : memref<128xf32, #tpu.memory_space<vmem>>, vector<16xf32>,
    %swap3A_25 = vector.shape_cast %swap3A_24 : vector<16xf32> to vector<16xf32>
    %swap3A_26 = vector.shape_cast %broadcast_in_dim3A_1 : vector<16xf32> to vector<16xf32>
    tpu.vector_store %arg5[%swap3A_23], %swap3A_26 {strides = array<i32>} : memref<128xf32, #tpu.memory_space<vmem>>, vector<16xf32>,
    %swap3A_27 = arith.constant 96 : index
    %swap3A_28 = tpu.vector_load %arg5[%swap3A_27] {strides = array<i32>} : memref<128xf32, #tpu.memory_space<vmem>>, vector<16xf32>,
    %swap3A_29 = vector.shape_cast %swap3A_28 : vector<16xf32> to vector<16xf32>
    %swap3A_30 = vector.shape_cast %broadcast_in_dim3A_1 : vector<16xf32> to vector<16xf32>
    tpu.vector_store %arg5[%swap3A_27], %swap3A_30 {strides = array<i32>} : memref<128xf32, #tpu.memory_space<vmem>>, vector<16xf32>,
    %swap3A_31 = arith.constant 112 : index
    %swap3A_32 = tpu.vector_load %arg5[%swap3A_31] {strides = array<i32>} : memref<128xf32, #tpu.memory_space<vmem>>, vector<16xf32>,
    %swap3A_33 = vector.shape_cast %swap3A_32 : vector<16xf32> to vector<16xf32>
    %swap3A_34 = vector.shape_cast %broadcast_in_dim3A_1 : vector<16xf32> to vector<16xf32>
    tpu.vector_store %arg5[%swap3A_31], %swap3A_34 {strides = array<i32>} : memref<128xf32, #tpu.memory_space<vmem>>, vector<16xf32>,
    %scan3A = arith.constant 0 : i32
    %scan3A_35 = arith.constant 0 : i32
    %scan3A_36 = arith.constant 40 : i32
    %scan3A_37 = arith.addi %scan3A_35, %scan3A_36 : i32
    %scan3A_38 = arith.constant 1 : i32
    scf.for %scan3A_53 = %scan3A_35 to %scan3A_37 step %scan3A_38  : i32 {
      %mul3A_54 = arith.constant 16 : i32
      %mul3A_55 = arith.muli %scan3A_53, %mul3A_54 : i32
      %swap3A_56 = arith.index_cast %mul3A_55 : i32 to index
      %swap3A_57 = tpu.vector_load %arg6[%swap3A_56] {strides = array<i32>} : memref<640xf32, #tpu.memory_space<vmem>>, vector<16xf32>,
      %swap3A_58 = vector.shape_cast %swap3A_57 : vector<16xf32> to vector<16xf32>
      %swap3A_59 = vector.shape_cast %broadcast_in_dim3A_3 : vector<16xf32> to vector<16xf32>
      tpu.vector_store %arg6[%swap3A_56], %swap3A_59 {strides = array<i32>} : memref<640xf32, #tpu.memory_space<vmem>>, vector<16xf32>,
    }
    %scan3A_39 = arith.constant 40 : i32
    %mul3A_40 = arith.constant 640 : i32
    %mul3A_41 = arith.muli %arg1, %mul3A_40 : i32
    "tpu.region"() ({
      %run_scoped3A = tpu.sem_alloc : memref<!tpu.dma_semaphore, #tpu.memory_space<semaphore_mem>>
      %dma_start3A = tpu.memref_slice %arg7[%mul3A_41] : memref<10240xf32, #tpu.memory_space<vmem_shared>> -> memref<640xf32, #tpu.memory_space<vmem_shared>>
      %dma_start3A_53 = tpu.memref_slice %arg7[%mul3A_41] : memref<10240xf32, #tpu.memory_space<vmem_shared>> -> memref<640xf32, #tpu.memory_space<vmem_shared>>
      tpu.enqueue_dma source(%arg6 : memref<640xf32, #tpu.memory_space<vmem>>) target(%dma_start3A_53 : memref<640xf32, #tpu.memory_space<vmem_shared>>) target_semaphore(%run_scoped3A : memref<!tpu.dma_semaphore, #tpu.memory_space<semaphore_mem>>)
      %dma_wait3A = tpu.memref_slice %arg7[%mul3A_41] : memref<10240xf32, #tpu.memory_space<vmem_shared>> -> memref<640xf32, #tpu.memory_space<vmem_shared>>
      %dma_wait3A_54 = tpu.memref_slice %arg7[%mul3A_41] : memref<10240xf32, #tpu.memory_space<vmem_shared>> -> memref<640xf32, #tpu.memory_space<vmem_shared>>
      tpu.wait_dma2 semaphore(%run_scoped3A : memref<!tpu.dma_semaphore, #tpu.memory_space<semaphore_mem>>) src(%arg6 : memref<640xf32, #tpu.memory_space<vmem>>) dst(%dma_wait3A_54 : memref<640xf32, #tpu.memory_space<vmem_shared>>)
      tpu.yield
    }) : () -> ()
    %barrier3A = arith.constant 0 : index
    tpu.barrier barrier_id(%barrier3A)
    %scan3A_42 = arith.constant 0 : i32
    %scan3A_43 = arith.constant 0 : i32
    %scan3A_44 = arith.constant 79 : i32
    %scan3A_45 = arith.addi %scan3A_43, %scan3A_44 : i32
    %scan3A_46 = arith.constant 1 : i32
    scf.for %scan3A_53 = %scan3A_43 to %scan3A_45 step %scan3A_46  : i32 {
      "tpu.region"() ({
        %run_scoped3A = tpu.sem_alloc : memref<!tpu.dma_semaphore, #tpu.memory_space<semaphore_mem>>
        %dma_start3A = arith.constant 0 : i32
        %dma_start3A_54 = tpu.memref_slice %arg4[%scan3A_53, %dma_start3A] : memref<79x128xi32, #tpu.memory_space<vmem>> -> memref<1x128xi32, #tpu.memory_space<vmem>>
        %dma_start3A_55 = tpu.memref_squeeze %dma_start3A_54 : memref<1x128xi32, #tpu.memory_space<vmem>> -> memref<128xi32, #tpu.memory_space<vmem>>
        %dma_start3A_56 = arith.constant 0 : i32
        %dma_start3A_57 = tpu.memref_slice %arg7[%dma_start3A_56] : memref<10240xf32, #tpu.memory_space<vmem_shared>> -> memref<10240xf32, #tpu.memory_space<vmem_shared>>
        tpu.enqueue_indirect_dma source(%arg5 : memref<128xf32, #tpu.memory_space<vmem>>) target(%dma_start3A_57 : memref<10240xf32, #tpu.memory_space<vmem_shared>>) offsets(%dma_start3A_55 : memref<128xi32, #tpu.memory_space<vmem>>) semaphore(%run_scoped3A : memref<!tpu.dma_semaphore, #tpu.memory_space<semaphore_mem>>) {add = true}
        %dma_wait3A = arith.constant 0 : i32
        %dma_wait3A_58 = tpu.memref_slice %arg4[%scan3A_53, %dma_wait3A] : memref<79x128xi32, #tpu.memory_space<vmem>> -> memref<1x128xi32, #tpu.memory_space<vmem>>
        %dma_wait3A_59 = tpu.memref_squeeze %dma_wait3A_58 : memref<1x128xi32, #tpu.memory_space<vmem>> -> memref<128xi32, #tpu.memory_space<vmem>>
        %dma_wait3A_60 = arith.constant 0 : i32
        %dma_wait3A_61 = tpu.memref_slice %arg7[%dma_wait3A_60] : memref<10240xf32, #tpu.memory_space<vmem_shared>> -> memref<10240xf32, #tpu.memory_space<vmem_shared>>
        tpu.wait_indirect_dma semaphore(%run_scoped3A : memref<!tpu.dma_semaphore, #tpu.memory_space<semaphore_mem>>) src(%arg5 : memref<128xf32, #tpu.memory_space<vmem>>) dst(%dma_wait3A_61 : memref<10240xf32, #tpu.memory_space<vmem_shared>>)
        tpu.yield
      }) : () -> ()
    }
    %scan3A_47 = arith.constant 79 : i32
    %barrier3A_48 = arith.constant 0 : index
    tpu.barrier barrier_id(%barrier3A_48)
    %mul3A_49 = arith.constant 640 : i32
    %mul3A_50 = arith.muli %arg1, %mul3A_49 : i32
    %mul3A_51 = arith.constant 640 : i32
    %mul3A_52 = arith.muli %arg1, %mul3A_51 : i32
    "tpu.region"() ({
      %run_scoped3A = tpu.sem_alloc : memref<!tpu.dma_semaphore, #tpu.memory_space<semaphore_mem>>
      %dma_start3A = tpu.memref_slice %arg3[%arg0, %mul3A_52] : memref<2x10240xf32, #tpu.memory_space<hbm>> -> memref<1x640xf32, #tpu.memory_space<hbm>>
      %dma_start3A_53 = tpu.memref_squeeze %dma_start3A : memref<1x640xf32, #tpu.memory_space<hbm>> -> memref<640xf32, #tpu.memory_space<hbm>>
      %dma_start3A_54 = tpu.memref_slice %arg7[%mul3A_50] : memref<10240xf32, #tpu.memory_space<vmem_shared>> -> memref<640xf32, #tpu.memory_space<vmem_shared>>
      tpu.enqueue_dma source(%dma_start3A_54 : memref<640xf32, #tpu.memory_space<vmem_shared>>) target(%dma_start3A_53 : memref<640xf32, #tpu.memory_space<hbm>>) target_semaphore(%run_scoped3A : memref<!tpu.dma_semaphore, #tpu.memory_space<semaphore_mem>>)
      %dma_wait3A = tpu.memref_slice %arg3[%arg0, %mul3A_52] : memref<2x10240xf32, #tpu.memory_space<hbm>> -> memref<1x640xf32, #tpu.memory_space<hbm>>
      %dma_wait3A_55 = tpu.memref_squeeze %dma_wait3A : memref<1x640xf32, #tpu.memory_space<hbm>> -> memref<640xf32, #tpu.memory_space<hbm>>
      %dma_wait3A_56 = tpu.memref_slice %arg7[%mul3A_50] : memref<10240xf32, #tpu.memory_space<vmem_shared>> -> memref<640xf32, #tpu.memory_space<vmem_shared>>
      tpu.wait_dma2 semaphore(%run_scoped3A : memref<!tpu.dma_semaphore, #tpu.memory_space<semaphore_mem>>) src(%dma_wait3A_56 : memref<640xf32, #tpu.memory_space<vmem_shared>>) dst(%dma_wait3A_55 : memref<640xf32, #tpu.memory_space<hbm>>)
      tpu.yield
    }) : () -> ()
    return
  }
}

module attributes {stable_mosaic.version = 14 : i64} {
  func.func @_k1_body(%arg0: i32, %arg1: memref<2x2000x1xf32, #tpu.memory_space<vmem>>, %arg2: memref<2000x128xf32, #tpu.memory_space<vmem>>, %arg3: memref<128x128xf32, #tpu.memory_space<vmem>>, %arg4: memref<2000x128xf32, #tpu.memory_space<vmem>>, %arg5: memref<2000x1xf32, #tpu.memory_space<vmem>>) attributes {dimension_semantics = [#tpu.dimension_semantics<arbitrary>], iteration_bounds = array<i64: 5>, scalar_prefetch = 0 : i64, scratch_operands = 0 : i64, tpu.core_type = #tpu.core_type<tc>, window_params = [{transform_indices = @transform_0, window_bounds = array<i64: 2, 2000, 1>}, {transform_indices = @transform_1, window_bounds = array<i64: 2000, 128>}, {pipeline_mode = #tpu.pipeline_mode<synchronous>, transform_indices = @transform_2, window_bounds = array<i64: 128, 128>}, {transform_indices = @transform_3, window_bounds = array<i64: 2000, 128>}, {transform_indices = @transform_4, window_bounds = array<i64: 2000, 1>}]} {
    %get3A = arith.constant 0 : index
    %get3A_0 = arith.constant 0 : index
    %get3A_1 = arith.constant 0 : index
    %get3A_2 = vector.load %arg1[%get3A, %get3A_0, %get3A_1] : memref<2x2000x1xf32, #tpu.memory_space<vmem>>, vector<1x2000x1xf32>
    %get3A_3 = vector.shape_cast %get3A_2 : vector<1x2000x1xf32> to vector<2000x1xf32>
    %get3A_4 = arith.constant 1 : index
    %get3A_5 = arith.constant 0 : index
    %get3A_6 = arith.constant 0 : index
    %get3A_7 = vector.load %arg1[%get3A_4, %get3A_5, %get3A_6] : memref<2x2000x1xf32, #tpu.memory_space<vmem>>, vector<1x2000x1xf32>
    %get3A_8 = vector.shape_cast %get3A_7 : vector<1x2000x1xf32> to vector<2000x1xf32>
    %add3A = arith.addf %get3A_3, %get3A_8 : vector<2000x1xf32>
    %add3A_9 = arith.constant 1.000000e+00 : f32
    %add3A_10 = vector.broadcast %add3A_9 : f32 to vector<2000x1xf32>
    %add3A_11 = arith.addf %add3A, %add3A_10 : vector<2000x1xf32>
    %rsqrt3A = math.rsqrt %add3A_11 : vector<2000x1xf32>
    %get3A_12 = arith.constant 0 : index
    %get3A_13 = arith.constant 0 : index
    %get3A_14 = vector.load %arg2[%get3A_12, %get3A_13] : memref<2000x128xf32, #tpu.memory_space<vmem>>, vector<2000x128xf32>
    %get3A_15 = arith.constant 0 : index
    %get3A_16 = arith.constant 0 : index
    %get3A_17 = vector.load %arg3[%get3A_15, %get3A_16] : memref<128x128xf32, #tpu.memory_space<vmem>>, vector<128x128xf32>
    %dot_general3A = arith.constant dense<0.000000e+00> : vector<2000x128xf32>
    %dot_general3A_18 = tpu.matmul %get3A_14, %get3A_17, %dot_general3A {dimension_numbers = #tpu.dot_dimension_numbers<[1], [0], [0], [1], [0, 0, 1, 1], [], []>, transpose_lhs_hint = false} : vector<2000x128xf32>, vector<128x128xf32>, vector<2000x128xf32> -> vector<2000x128xf32>
    %mul3A = vector.broadcast %rsqrt3A : vector<2000x1xf32> to vector<2000x128xf32>
    %mul3A_19 = arith.mulf %dot_general3A_18, %mul3A : vector<2000x128xf32>
    %swap3A = arith.constant 0 : index
    %swap3A_20 = arith.constant 0 : index
    %swap3A_21 = vector.load %arg4[%swap3A, %swap3A_20] : memref<2000x128xf32, #tpu.memory_space<vmem>>, vector<2000x128xf32>
    tpu.vector_store %arg4[%swap3A, %swap3A_20], %mul3A_19 {strides = array<i32>} : memref<2000x128xf32, #tpu.memory_space<vmem>>, vector<2000x128xf32>,
    %swap3A_22 = arith.constant 0 : index
    %swap3A_23 = arith.constant 0 : index
    %swap3A_24 = vector.load %arg5[%swap3A_22, %swap3A_23] : memref<2000x1xf32, #tpu.memory_space<vmem>>, vector<2000x1xf32>
    tpu.vector_store %arg5[%swap3A_22, %swap3A_23], %rsqrt3A {strides = array<i32>} : memref<2000x1xf32, #tpu.memory_space<vmem>>, vector<2000x1xf32>,
    return
  }
  func.func @transform_0(%arg0: i32) -> (i32, i32, i32) {
    %c0_i32 = arith.constant 0 : i32
    %c0_i32_0 = arith.constant 0 : i32
    %c0_i32_1 = arith.constant 0 : i32
    return %c0_i32, %arg0, %c0_i32_0 : i32, i32, i32
  }
  func.func @transform_1(%arg0: i32) -> (i32, i32) {
    %c0_i32 = arith.constant 0 : i32
    %c0_i32_0 = arith.constant 0 : i32
    return %arg0, %c0_i32 : i32, i32
  }
  func.func @transform_2(%arg0: i32) -> (i32, i32) {
    %c0_i32 = arith.constant 0 : i32
    %c0_i32_0 = arith.constant 0 : i32
    %c0_i32_1 = arith.constant 0 : i32
    return %c0_i32, %c0_i32_0 : i32, i32
  }
  func.func @transform_3(%arg0: i32) -> (i32, i32) {
    %c0_i32 = arith.constant 0 : i32
    %c0_i32_0 = arith.constant 0 : i32
    return %arg0, %c0_i32 : i32, i32
  }
  func.func @transform_4(%arg0: i32) -> (i32, i32) {
    %c0_i32 = arith.constant 0 : i32
    %c0_i32_0 = arith.constant 0 : i32
    return %arg0, %c0_i32 : i32, i32
  }
}

module attributes {stable_mosaic.version = 14 : i64} {
  func.func @_mid_body(%arg0: i32, %arg1: memref<2x2000x128xf32, #tpu.memory_space<vmem>>, %arg2: memref<2000x128xf32, #tpu.memory_space<vmem>>, %arg3: memref<2000x1xf32, #tpu.memory_space<vmem>>, %arg4: memref<1x128xf32, #tpu.memory_space<vmem>>, %arg5: memref<128x128xf32, #tpu.memory_space<vmem>>, %arg6: memref<2000x128xf32, #tpu.memory_space<vmem>>, %arg7: memref<2000x128xf32, #tpu.memory_space<vmem>>) attributes {dimension_semantics = [#tpu.dimension_semantics<arbitrary>], iteration_bounds = array<i64: 5>, scalar_prefetch = 0 : i64, scratch_operands = 0 : i64, tpu.core_type = #tpu.core_type<tc>, window_params = [{transform_indices = @transform_0, window_bounds = array<i64: 2, 2000, 128>}, {transform_indices = @transform_1, window_bounds = array<i64: 2000, 128>}, {transform_indices = @transform_2, window_bounds = array<i64: 2000, 1>}, {pipeline_mode = #tpu.pipeline_mode<synchronous>, transform_indices = @transform_3, window_bounds = array<i64: 1, 128>}, {pipeline_mode = #tpu.pipeline_mode<synchronous>, transform_indices = @transform_4, window_bounds = array<i64: 128, 128>}, {transform_indices = @transform_5, window_bounds = array<i64: 2000, 128>}, {transform_indices = @transform_6, window_bounds = array<i64: 2000, 128>}]} {
    %get3A = arith.constant 0 : index
    %get3A_0 = arith.constant 0 : index
    %get3A_1 = vector.load %arg3[%get3A, %get3A_0] : memref<2000x1xf32, #tpu.memory_space<vmem>>, vector<2000x1xf32>
    %get3A_2 = arith.constant 0 : index
    %get3A_3 = arith.constant 0 : index
    %get3A_4 = arith.constant 0 : index
    %get3A_5 = vector.load %arg1[%get3A_2, %get3A_3, %get3A_4] : memref<2x2000x128xf32, #tpu.memory_space<vmem>>, vector<1x2000x128xf32>
    %get3A_6 = vector.shape_cast %get3A_5 : vector<1x2000x128xf32> to vector<2000x128xf32>
    %get3A_7 = arith.constant 1 : index
    %get3A_8 = arith.constant 0 : index
    %get3A_9 = arith.constant 0 : index
    %get3A_10 = vector.load %arg1[%get3A_7, %get3A_8, %get3A_9] : memref<2x2000x128xf32, #tpu.memory_space<vmem>>, vector<1x2000x128xf32>
    %get3A_11 = vector.shape_cast %get3A_10 : vector<1x2000x128xf32> to vector<2000x128xf32>
    %add3A = arith.addf %get3A_6, %get3A_11 : vector<2000x128xf32>
    %get3A_12 = arith.constant 0 : index
    %get3A_13 = arith.constant 0 : index
    %get3A_14 = vector.load %arg2[%get3A_12, %get3A_13] : memref<2000x128xf32, #tpu.memory_space<vmem>>, vector<2000x128xf32>
    %add3A_15 = arith.addf %add3A, %get3A_14 : vector<2000x128xf32>
    %mul3A = vector.broadcast %get3A_1 : vector<2000x1xf32> to vector<2000x128xf32>
    %mul3A_16 = arith.mulf %mul3A, %add3A_15 : vector<2000x128xf32>
    %get3A_17 = arith.constant 0 : index
    %get3A_18 = arith.constant 0 : index
    %get3A_19 = vector.load %arg4[%get3A_17, %get3A_18] : memref<1x128xf32, #tpu.memory_space<vmem>>, vector<1x128xf32>
    %add3A_20 = vector.broadcast %get3A_19 : vector<1x128xf32> to vector<2000x128xf32>
    %add3A_21 = arith.addf %mul3A_16, %add3A_20 : vector<2000x128xf32>
    %mul3A_22 = arith.constant 5.000000e-01 : f32
    %mul3A_23 = vector.broadcast %mul3A_22 : f32 to vector<2000x128xf32>
    %mul3A_24 = arith.mulf %mul3A_23, %add3A_21 : vector<2000x128xf32>
    %mul3A_25 = arith.constant 0.707106769 : f32
    %mul3A_26 = vector.broadcast %mul3A_25 : f32 to vector<2000x128xf32>
    %mul3A_27 = arith.mulf %add3A_21, %mul3A_26 : vector<2000x128xf32>
    %erf3A = math.erf %mul3A_27 : vector<2000x128xf32>
    %add3A_28 = arith.constant 1.000000e+00 : f32
    %add3A_29 = vector.broadcast %add3A_28 : f32 to vector<2000x128xf32>
    %add3A_30 = arith.addf %add3A_29, %erf3A : vector<2000x128xf32>
    %mul3A_31 = arith.mulf %mul3A_24, %add3A_30 : vector<2000x128xf32>
    %swap3A = arith.constant 0 : index
    %swap3A_32 = arith.constant 0 : index
    %swap3A_33 = vector.load %arg6[%swap3A, %swap3A_32] : memref<2000x128xf32, #tpu.memory_space<vmem>>, vector<2000x128xf32>
    tpu.vector_store %arg6[%swap3A, %swap3A_32], %mul3A_31 {strides = array<i32>} : memref<2000x128xf32, #tpu.memory_space<vmem>>, vector<2000x128xf32>,
    %get3A_34 = arith.constant 0 : index
    %get3A_35 = arith.constant 0 : index
    %get3A_36 = vector.load %arg5[%get3A_34, %get3A_35] : memref<128x128xf32, #tpu.memory_space<vmem>>, vector<128x128xf32>
    %dot_general3A = arith.constant dense<0.000000e+00> : vector<2000x128xf32>
    %dot_general3A_37 = tpu.matmul %mul3A_31, %get3A_36, %dot_general3A {dimension_numbers = #tpu.dot_dimension_numbers<[1], [0], [0], [1], [0, 0, 1, 1], [], []>, transpose_lhs_hint = false} : vector<2000x128xf32>, vector<128x128xf32>, vector<2000x128xf32> -> vector<2000x128xf32>
    %mul3A_38 = vector.broadcast %get3A_1 : vector<2000x1xf32> to vector<2000x128xf32>
    %mul3A_39 = arith.mulf %dot_general3A_37, %mul3A_38 : vector<2000x128xf32>
    %swap3A_40 = arith.constant 0 : index
    %swap3A_41 = arith.constant 0 : index
    %swap3A_42 = vector.load %arg7[%swap3A_40, %swap3A_41] : memref<2000x128xf32, #tpu.memory_space<vmem>>, vector<2000x128xf32>
    tpu.vector_store %arg7[%swap3A_40, %swap3A_41], %mul3A_39 {strides = array<i32>} : memref<2000x128xf32, #tpu.memory_space<vmem>>, vector<2000x128xf32>,
    return
  }
  func.func @transform_0(%arg0: i32) -> (i32, i32, i32) {
    %c0_i32 = arith.constant 0 : i32
    %c0_i32_0 = arith.constant 0 : i32
    %c0_i32_1 = arith.constant 0 : i32
    return %c0_i32, %arg0, %c0_i32_0 : i32, i32, i32
  }
  func.func @transform_1(%arg0: i32) -> (i32, i32) {
    %c0_i32 = arith.constant 0 : i32
    %c0_i32_0 = arith.constant 0 : i32
    return %arg0, %c0_i32 : i32, i32
  }
  func.func @transform_2(%arg0: i32) -> (i32, i32) {
    %c0_i32 = arith.constant 0 : i32
    %c0_i32_0 = arith.constant 0 : i32
    return %arg0, %c0_i32 : i32, i32
  }
  func.func @transform_3(%arg0: i32) -> (i32, i32) {
    %c0_i32 = arith.constant 0 : i32
    %c0_i32_0 = arith.constant 0 : i32
    %c0_i32_1 = arith.constant 0 : i32
    return %c0_i32, %c0_i32_0 : i32, i32
  }
  func.func @transform_4(%arg0: i32) -> (i32, i32) {
    %c0_i32 = arith.constant 0 : i32
    %c0_i32_0 = arith.constant 0 : i32
    %c0_i32_1 = arith.constant 0 : i32
    return %c0_i32, %c0_i32_0 : i32, i32
  }
  func.func @transform_5(%arg0: i32) -> (i32, i32) {
    %c0_i32 = arith.constant 0 : i32
    %c0_i32_0 = arith.constant 0 : i32
    return %arg0, %c0_i32 : i32, i32
  }
  func.func @transform_6(%arg0: i32) -> (i32, i32) {
    %c0_i32 = arith.constant 0 : i32
    %c0_i32_0 = arith.constant 0 : i32
    return %arg0, %c0_i32 : i32, i32
  }
}

module attributes {stable_mosaic.version = 14 : i64} {
  func.func @_final_body(%arg0: i32, %arg1: memref<2000x128xf32, #tpu.memory_space<vmem>>, %arg2: memref<2000x128xf32, #tpu.memory_space<vmem>>, %arg3: memref<2000x128xf32, #tpu.memory_space<vmem>>, %arg4: memref<2000x128xf32, #tpu.memory_space<vmem>>, %arg5: memref<4x128x128xf32, #tpu.memory_space<vmem>>, %arg6: memref<1x128xf32, #tpu.memory_space<vmem>>, %arg7: memref<1x128xf32, #tpu.memory_space<vmem>>, %arg8: memref<1x128xf32, #tpu.memory_space<vmem>>, %arg9: memref<2000x128xf32, #tpu.memory_space<vmem>>) attributes {dimension_semantics = [#tpu.dimension_semantics<arbitrary>], iteration_bounds = array<i64: 5>, scalar_prefetch = 0 : i64, scratch_operands = 0 : i64, tpu.core_type = #tpu.core_type<tc>, window_params = [{transform_indices = @transform_0, window_bounds = array<i64: 2000, 128>}, {transform_indices = @transform_1, window_bounds = array<i64: 2000, 128>}, {transform_indices = @transform_2, window_bounds = array<i64: 2000, 128>}, {transform_indices = @transform_3, window_bounds = array<i64: 2000, 128>}, {pipeline_mode = #tpu.pipeline_mode<synchronous>, transform_indices = @transform_4, window_bounds = array<i64: 4, 128, 128>}, {pipeline_mode = #tpu.pipeline_mode<synchronous>, transform_indices = @transform_5, window_bounds = array<i64: 1, 128>}, {pipeline_mode = #tpu.pipeline_mode<synchronous>, transform_indices = @transform_6, window_bounds = array<i64: 1, 128>}, {pipeline_mode = #tpu.pipeline_mode<synchronous>, transform_indices = @transform_7, window_bounds = array<i64: 1, 128>}, {transform_indices = @transform_8, window_bounds = array<i64: 2000, 128>}]} {
    %get3A = arith.constant 0 : index
    %get3A_0 = arith.constant 0 : index
    %get3A_1 = vector.load %arg1[%get3A, %get3A_0] : memref<2000x128xf32, #tpu.memory_space<vmem>>, vector<2000x128xf32>
    %get3A_2 = arith.constant 0 : index
    %get3A_3 = arith.constant 0 : index
    %get3A_4 = arith.constant 0 : index
    %get3A_5 = vector.load %arg5[%get3A_2, %get3A_3, %get3A_4] : memref<4x128x128xf32, #tpu.memory_space<vmem>>, vector<1x128x128xf32>
    %get3A_6 = vector.shape_cast %get3A_5 : vector<1x128x128xf32> to vector<128x128xf32>
    %dot_general3A = arith.constant dense<0.000000e+00> : vector<2000x128xf32>
    %dot_general3A_7 = tpu.matmul %get3A_1, %get3A_6, %dot_general3A {dimension_numbers = #tpu.dot_dimension_numbers<[1], [0], [0], [1], [0, 0, 1, 1], [], []>, transpose_lhs_hint = false} : vector<2000x128xf32>, vector<128x128xf32>, vector<2000x128xf32> -> vector<2000x128xf32>
    %get3A_8 = arith.constant 0 : index
    %get3A_9 = arith.constant 0 : index
    %get3A_10 = vector.load %arg2[%get3A_8, %get3A_9] : memref<2000x128xf32, #tpu.memory_space<vmem>>, vector<2000x128xf32>
    %get3A_11 = arith.constant 1 : index
    %get3A_12 = arith.constant 0 : index
    %get3A_13 = arith.constant 0 : index
    %get3A_14 = vector.load %arg5[%get3A_11, %get3A_12, %get3A_13] : memref<4x128x128xf32, #tpu.memory_space<vmem>>, vector<1x128x128xf32>
    %get3A_15 = vector.shape_cast %get3A_14 : vector<1x128x128xf32> to vector<128x128xf32>
    %dot_general3A_16 = arith.constant dense<0.000000e+00> : vector<2000x128xf32>
    %dot_general3A_17 = tpu.matmul %get3A_10, %get3A_15, %dot_general3A_16 {dimension_numbers = #tpu.dot_dimension_numbers<[1], [0], [0], [1], [0, 0, 1, 1], [], []>, transpose_lhs_hint = false} : vector<2000x128xf32>, vector<128x128xf32>, vector<2000x128xf32> -> vector<2000x128xf32>
    %add3A = arith.addf %dot_general3A_7, %dot_general3A_17 : vector<2000x128xf32>
    %get3A_18 = arith.constant 0 : index
    %get3A_19 = arith.constant 0 : index
    %get3A_20 = vector.load %arg3[%get3A_18, %get3A_19] : memref<2000x128xf32, #tpu.memory_space<vmem>>, vector<2000x128xf32>
    %get3A_21 = arith.constant 2 : index
    %get3A_22 = arith.constant 0 : index
    %get3A_23 = arith.constant 0 : index
    %get3A_24 = vector.load %arg5[%get3A_21, %get3A_22, %get3A_23] : memref<4x128x128xf32, #tpu.memory_space<vmem>>, vector<1x128x128xf32>
    %get3A_25 = vector.shape_cast %get3A_24 : vector<1x128x128xf32> to vector<128x128xf32>
    %dot_general3A_26 = arith.constant dense<0.000000e+00> : vector<2000x128xf32>
    %dot_general3A_27 = tpu.matmul %get3A_20, %get3A_25, %dot_general3A_26 {dimension_numbers = #tpu.dot_dimension_numbers<[1], [0], [0], [1], [0, 0, 1, 1], [], []>, transpose_lhs_hint = false} : vector<2000x128xf32>, vector<128x128xf32>, vector<2000x128xf32> -> vector<2000x128xf32>
    %add3A_28 = arith.addf %add3A, %dot_general3A_27 : vector<2000x128xf32>
    %get3A_29 = arith.constant 0 : index
    %get3A_30 = arith.constant 0 : index
    %get3A_31 = vector.load %arg4[%get3A_29, %get3A_30] : memref<2000x128xf32, #tpu.memory_space<vmem>>, vector<2000x128xf32>
    %get3A_32 = arith.constant 3 : index
    %get3A_33 = arith.constant 0 : index
    %get3A_34 = arith.constant 0 : index
    %get3A_35 = vector.load %arg5[%get3A_32, %get3A_33, %get3A_34] : memref<4x128x128xf32, #tpu.memory_space<vmem>>, vector<1x128x128xf32>
    %get3A_36 = vector.shape_cast %get3A_35 : vector<1x128x128xf32> to vector<128x128xf32>
    %dot_general3A_37 = arith.constant dense<0.000000e+00> : vector<2000x128xf32>
    %dot_general3A_38 = tpu.matmul %get3A_31, %get3A_36, %dot_general3A_37 {dimension_numbers = #tpu.dot_dimension_numbers<[1], [0], [0], [1], [0, 0, 1, 1], [], []>, transpose_lhs_hint = false} : vector<2000x128xf32>, vector<128x128xf32>, vector<2000x128xf32> -> vector<2000x128xf32>
    %add3A_39 = arith.addf %add3A_28, %dot_general3A_38 : vector<2000x128xf32>
    %get3A_40 = arith.constant 0 : index
    %get3A_41 = arith.constant 0 : index
    %get3A_42 = vector.load %arg6[%get3A_40, %get3A_41] : memref<1x128xf32, #tpu.memory_space<vmem>>, vector<1x128xf32>
    %add3A_43 = vector.broadcast %get3A_42 : vector<1x128xf32> to vector<2000x128xf32>
    %add3A_44 = arith.addf %add3A_39, %add3A_43 : vector<2000x128xf32>
    %mul3A = arith.constant 5.000000e-01 : f32
    %mul3A_45 = vector.broadcast %mul3A : f32 to vector<2000x128xf32>
    %mul3A_46 = arith.mulf %mul3A_45, %add3A_44 : vector<2000x128xf32>
    %mul3A_47 = arith.constant 0.707106769 : f32
    %mul3A_48 = vector.broadcast %mul3A_47 : f32 to vector<2000x128xf32>
    %mul3A_49 = arith.mulf %add3A_44, %mul3A_48 : vector<2000x128xf32>
    %erf3A = math.erf %mul3A_49 : vector<2000x128xf32>
    %add3A_50 = arith.constant 1.000000e+00 : f32
    %add3A_51 = vector.broadcast %add3A_50 : f32 to vector<2000x128xf32>
    %add3A_52 = arith.addf %add3A_51, %erf3A : vector<2000x128xf32>
    %mul3A_53 = arith.mulf %mul3A_46, %add3A_52 : vector<2000x128xf32>
    %reduce_sum3A = arith.constant dense<0.000000e+00> : vector<2000xf32>
    %reduce_sum3A_54 = vector.multi_reduction <add>, %mul3A_53, %reduce_sum3A [1] : vector<2000x128xf32> to vector<2000xf32>
    %broadcast_in_dim3A = vector.shape_cast %reduce_sum3A_54 : vector<2000xf32> to vector<2000x1xf32>
    %div3A = arith.constant 1.280000e+02 : f32
    %div3A_55 = vector.broadcast %div3A : f32 to vector<2000x1xf32>
    %div3A_56 = arith.divf %broadcast_in_dim3A, %div3A_55 : vector<2000x1xf32>
    %sub3A = vector.broadcast %div3A_56 : vector<2000x1xf32> to vector<2000x128xf32>
    %sub3A_57 = arith.subf %mul3A_53, %sub3A : vector<2000x128xf32>
    %integer_pow3A = arith.mulf %sub3A_57, %sub3A_57 : vector<2000x128xf32>
    %reduce_sum3A_58 = arith.constant dense<0.000000e+00> : vector<2000xf32>
    %reduce_sum3A_59 = vector.multi_reduction <add>, %integer_pow3A, %reduce_sum3A_58 [1] : vector<2000x128xf32> to vector<2000xf32>
    %broadcast_in_dim3A_60 = vector.shape_cast %reduce_sum3A_59 : vector<2000xf32> to vector<2000x1xf32>
    %div3A_61 = arith.constant 1.280000e+02 : f32
    %div3A_62 = vector.broadcast %div3A_61 : f32 to vector<2000x1xf32>
    %div3A_63 = arith.divf %broadcast_in_dim3A_60, %div3A_62 : vector<2000x1xf32>
    %sub3A_64 = vector.broadcast %div3A_56 : vector<2000x1xf32> to vector<2000x128xf32>
    %sub3A_65 = arith.subf %mul3A_53, %sub3A_64 : vector<2000x128xf32>
    %add3A_66 = arith.constant 9.99999974E-6 : f32
    %add3A_67 = vector.broadcast %add3A_66 : f32 to vector<2000x1xf32>
    %add3A_68 = arith.addf %div3A_63, %add3A_67 : vector<2000x1xf32>
    %rsqrt3A = math.rsqrt %add3A_68 : vector<2000x1xf32>
    %mul3A_69 = vector.broadcast %rsqrt3A : vector<2000x1xf32> to vector<2000x128xf32>
    %mul3A_70 = arith.mulf %sub3A_65, %mul3A_69 : vector<2000x128xf32>
    %get3A_71 = arith.constant 0 : index
    %get3A_72 = arith.constant 0 : index
    %get3A_73 = vector.load %arg7[%get3A_71, %get3A_72] : memref<1x128xf32, #tpu.memory_space<vmem>>, vector<1x128xf32>
    %mul3A_74 = vector.broadcast %get3A_73 : vector<1x128xf32> to vector<2000x128xf32>
    %mul3A_75 = arith.mulf %mul3A_70, %mul3A_74 : vector<2000x128xf32>
    %get3A_76 = arith.constant 0 : index
    %get3A_77 = arith.constant 0 : index
    %get3A_78 = vector.load %arg8[%get3A_76, %get3A_77] : memref<1x128xf32, #tpu.memory_space<vmem>>, vector<1x128xf32>
    %add3A_79 = vector.broadcast %get3A_78 : vector<1x128xf32> to vector<2000x128xf32>
    %add3A_80 = arith.addf %mul3A_75, %add3A_79 : vector<2000x128xf32>
    %swap3A = arith.constant 0 : index
    %swap3A_81 = arith.constant 0 : index
    %swap3A_82 = vector.load %arg9[%swap3A, %swap3A_81] : memref<2000x128xf32, #tpu.memory_space<vmem>>, vector<2000x128xf32>
    tpu.vector_store %arg9[%swap3A, %swap3A_81], %add3A_80 {strides = array<i32>} : memref<2000x128xf32, #tpu.memory_space<vmem>>, vector<2000x128xf32>,
    return
  }
  func.func @transform_0(%arg0: i32) -> (i32, i32) {
    %c0_i32 = arith.constant 0 : i32
    %c0_i32_0 = arith.constant 0 : i32
    return %arg0, %c0_i32 : i32, i32
  }
  func.func @transform_1(%arg0: i32) -> (i32, i32) {
    %c0_i32 = arith.constant 0 : i32
    %c0_i32_0 = arith.constant 0 : i32
    return %arg0, %c0_i32 : i32, i32
  }
  func.func @transform_2(%arg0: i32) -> (i32, i32) {
    %c0_i32 = arith.constant 0 : i32
    %c0_i32_0 = arith.constant 0 : i32
    return %arg0, %c0_i32 : i32, i32
  }
  func.func @transform_3(%arg0: i32) -> (i32, i32) {
    %c0_i32 = arith.constant 0 : i32
    %c0_i32_0 = arith.constant 0 : i32
    return %arg0, %c0_i32 : i32, i32
  }
  func.func @transform_4(%arg0: i32) -> (i32, i32, i32) {
    %c0_i32 = arith.constant 0 : i32
    %c0_i32_0 = arith.constant 0 : i32
    %c0_i32_1 = arith.constant 0 : i32
    %c0_i32_2 = arith.constant 0 : i32
    return %c0_i32, %c0_i32_0, %c0_i32_1 : i32, i32, i32
  }
  func.func @transform_5(%arg0: i32) -> (i32, i32) {
    %c0_i32 = arith.constant 0 : i32
    %c0_i32_0 = arith.constant 0 : i32
    %c0_i32_1 = arith.constant 0 : i32
    return %c0_i32, %c0_i32_0 : i32, i32
  }
  func.func @transform_6(%arg0: i32) -> (i32, i32) {
    %c0_i32 = arith.constant 0 : i32
    %c0_i32_0 = arith.constant 0 : i32
    %c0_i32_1 = arith.constant 0 : i32
    return %c0_i32, %c0_i32_0 : i32, i32
  }
  func.func @transform_7(%arg0: i32) -> (i32, i32) {
    %c0_i32 = arith.constant 0 : i32
    %c0_i32_0 = arith.constant 0 : i32
    %c0_i32_1 = arith.constant 0 : i32
    return %c0_i32, %c0_i32_0 : i32, i32
  }
  func.func @transform_8(%arg0: i32) -> (i32, i32) {
    %c0_i32 = arith.constant 0 : i32
    %c0_i32_0 = arith.constant 0 : i32
    return %arg0, %c0_i32 : i32, i32
  }
}

</mosaic_0001>

<sc_bundles>
// kernel: closed_call.12.cloned.1.call-start
scs
__scs_entry_jumppad:
0x0: {  	(pc) =	sbr.rel $0x88, $3  }
0x1: {  	(tag) =	ssettag $0x0;
	lr =	simm.s32 $0x1  }
0x2: {  	[smem:$0x3F95] =	sst lr;
	_ =	strace $0xD0000000  }
0x3: {  	_ = 	snop  }
0x4: {  	_ = 	snop  }
0x5: {  	_ = 	snop  }
0x6: {  	_ = 	snop  }
0x7: {  	_ = 	snop  }
__scs_overlays_trampoline_lowered:
0x8: {  	[smem:$0x3FA4] =	sst s0  }
0x9: {  	[smem:$0x3FA5] =	sst s1  }
0xa: {  	[smem:$0x3FA6] =	sst s2  }
0xb: {  	[smem:$0x3FA7] =	sst s3  }
0xc: {  	[smem:$0x3FA8] =	sst s4  }
0xd: {  	[smem:$0x3FA9] =	sst s5  }
0xe: {  	[smem:$0x3FAA] =	sst s6  }
0xf: {  	[smem:$0x3FAB] =	sst s7  }
0x10: {  	[smem:$0x3FAC] =	sst s8  }
0x11: {  	[smem:$0x3FAD] =	sst s9;
	s0 =	simm.s32 @!p0 $0x0  }
0x12: {  	s1 =	sld [smem:$0x3F93];
	s0 =	simm.s32 @p0 $0x1  }
0x13: {  	[smem:$0x3FAE] =	sst s0;
	s0 =	simm.s32 @!p1 $0x0  }
0x14: {  	s2 =	sld [smem:$0x3F92];
	s0 =	simm.s32 @p1 $0x1  }
0x15: {  	[smem:$0x3FAF] =	sst s0;
	s0 =	simm.s32 @!p2 $0x0  }
0x16: {  	s3 =	sld [smem:$0x3FDB];
	s0 =	simm.s32 @p2 $0x1  }
0x17: {  	s4 =	simm.s32 $0x1BF5;
	[smem:$0x3FB1] =	sst s0  }
0x18: {  	s0 =	sld [smem:$0x3F94];
	_ =	swait.ge [sflag:s4], $0x0  }
0x19: {  	s7 =	sld [smem:$0x3F95]  }
0x1a: {  	s8 =	sadd.s32 $0xFFFFE003, lr  }
0x1b: {  	s9 =	sadd.s32 $0xFFFFFEF7, lr;
	s5 =	simm.s32 $0xFFFFFFFF;
	p2 =	slt.u32 s8, $0xFFFFF086  }
0x1c: {  	p1 =	slt.u32 s9, $0xF7A;
	s5 =	simm.s32 @!p2 $0x0  }
0x1d: {  	s5 =	simm.s32 @p1 $0x1;
	p0 =	seq.s32 s7, s2  }
0x1e: {  	s7 =	smul.u32 @!p0 $0xF7A, s2;
	p2 =	seq.s32 @!p0 s5, $0x0  }
0x1f: {  	s9 =	smul.u32 $0xF7A, s1;
	s8 =	simm.s32 @!p0 $0x1BF5;
	p2 =	por !p2, p0  }
0x20: {  	[sflag:s8] =	ssyncset.s32 @!p0 $0xFFFFF086;
	s6 =	sadd.s32 @!p0 s3, s7;
	s7 =	simm.s32 @!p0 $0x108  }
0x21: {  	s3 =	sadd.s32 s3, s9;
	s6 =	sadd.s32 @!p0 $0x88, s6;
	s7 =	simm.s32 @p2 $0x1082  }
0x22: {  	[simem:s7], [sflag:s8] =	dma.local @!p0 [hbm:s6], $0xF7A  }
0x23: {  	s9 =	sor.u32 $0xD0000000, s2;
	s6 =	simm.s32 $0x108;
	_ =	swait.ge @!p0 [sflag:s8], $0x0  }
0x24: {  	s3 =	sadd.s32 $0x88, s3;
	s6 =	simm.s32 @!p1 $0x1082;
	[sflag:s4] =	ssyncset.s32 $0xFFFFF086  }
0x25: {  	[simem:s6], [sflag:s4] =	dma.local [hbm:s3], $0xF7A  }
0x26: {  	[smem:$0x3F95] =	sst s1;
	(tag) =	ssettag s2;
	_ =	strace s9  }
0x27: {  	s1 =	sld [smem:$0x3FA5]  }
0x28: {  	s2 =	sld [smem:$0x3FA6]  }
0x29: {  	s4 =	sld [smem:$0x3FA8]  }
0x2a: {  	p0 =	seq.s32 s5, $0x0;
	s5 =	sld [smem:$0x3FA9]  }
0x2b: {  	s6 =	sld [smem:$0x3FAA]  }
0x2c: {  	s7 =	sld [smem:$0x3FAB]  }
0x2d: {  	s3 =	simm.s32 $0x108;
	s8 =	sld [smem:$0x3FAC]  }
0x2e: {  	s3 =	simm.s32 @!p0 $0x1082;
	s9 =	sld [smem:$0x3FAD]  }
0x2f: {  	lr =	sadd.s32 s0, s3;
	s0 =	sld [smem:$0x3FA4]  }
0x30: {  	s3 =	sld [smem:$0x3FA7]  }
0x31: {  	[smem:$0x3FB0] =	sst s10  }
0x32: {  	s10 =	sld [smem:$0x3FAE];
	_ =	sdelay $0x3  }
0x33: {  	p0 =	seq.s32 s10, $0x1;
	s10 =	sld [smem:$0x3FB0];
	_ =	sdelay $0x3  }
0x34: {  	[smem:$0x3FB0] =	sst s10  }
0x35: {  	s10 =	sld [smem:$0x3FAF];
	_ =	sdelay $0x3  }
0x36: {  	p1 =	seq.s32 s10, $0x1;
	s10 =	sld [smem:$0x3FB0];
	_ =	sdelay $0x3  }
0x37: {  	[smem:$0x3FB0] =	sst s10  }
0x38: {  	s10 =	sld [smem:$0x3FB1]  }
0x39: {  	_ = 	snop;
	(pc) =	sbr.ind lr, $3  }
0x3a: {  	_ = 	snop  }
0x3b: {  	_ = 	snop  }
0x3c: {  	p2 =	seq.s32 s10, $0x1;
	s10 =	sld [smem:$0x3FB0]  }
0x3d: {  	_ =	shalt  }
0x3e: {  	_ =	shalt  }
0x3f: {  	_ =	shalt  }
0x40: {  	_ =	shalt  }
0x41: {  	_ =	shalt  }
0x42: {  	_ =	shalt  }
0x43: {  	_ =	shalt  }
0x44: {  	_ =	shalt  }
0x45: {  	_ =	shalt  }
0x46: {  	_ =	shalt  }
0x47: {  	_ =	shalt  }
0x48: {  	_ =	shalt  }
0x49: {  	_ =	shalt  }
0x4a: {  	_ =	shalt  }
0x4b: {  	_ =	shalt  }
0x4c: {  	_ =	shalt  }
0x4d: {  	_ =	shalt  }
0x4e: {  	_ =	shalt  }
0x4f: {  	_ =	shalt  }
0x50: {  	_ =	shalt  }
0x51: {  	_ =	shalt  }
0x52: {  	_ =	shalt  }
0x53: {  	_ =	shalt  }
0x54: {  	_ =	shalt  }
0x55: {  	_ =	shalt  }
0x56: {  	_ =	shalt  }
0x57: {  	_ =	shalt  }
0x58: {  	_ =	shalt  }
0x59: {  	_ =	shalt  }
0x5a: {  	_ =	shalt  }
0x5b: {  	_ =	shalt  }
0x5c: {  	_ =	shalt  }
0x5d: {  	_ =	shalt  }
0x5e: {  	_ =	shalt  }
0x5f: {  	_ =	shalt  }
0x60: {  	_ =	shalt  }
0x61: {  	_ =	shalt  }
0x62: {  	_ =	shalt  }
0x63: {  	_ =	shalt  }
0x64: {  	_ =	shalt  }
0x65: {  	_ =	shalt  }
0x66: {  	_ =	shalt  }
0x67: {  	_ =	shalt  }
0x68: {  	_ =	shalt  }
0x69: {  	_ =	shalt  }
0x6a: {  	_ =	shalt  }
0x6b: {  	_ =	shalt  }
0x6c: {  	_ =	shalt  }
0x6d: {  	_ =	shalt  }
0x6e: {  	_ =	shalt  }
0x6f: {  	_ =	shalt  }
0x70: {  	_ =	shalt  }
0x71: {  	_ =	shalt  }
0x72: {  	_ =	shalt  }
0x73: {  	_ =	shalt  }
0x74: {  	_ =	shalt  }
0x75: {  	_ =	shalt  }
0x76: {  	_ =	shalt  }
0x77: {  	_ =	shalt  }
0x78: {  	_ =	shalt  }
0x79: {  	_ =	shalt  }
0x7a: {  	_ =	shalt  }
0x7b: {  	_ =	shalt  }
0x7c: {  	_ =	shalt  }
0x7d: {  	_ =	shalt  }
0x7e: {  	_ =	shalt  }
0x7f: {  	_ =	shalt  }
0x80: {  	_ =	shalt  }
0x81: {  	_ =	shalt  }
0x82: {  	_ =	shalt  }
0x83: {  	_ =	shalt  }
0x84: {  	_ =	shalt  }
0x85: {  	_ =	shalt  }
0x86: {  	_ =	shalt  }
0x87: {  	_ =	shalt  }
.Lfunc_end0:
.L_simem_size_0:
called_computation_lowered:
.L_overlay_start_0:
0x88: {  	s2 =	sld [smem:$0x3FD9]  }
0x89: {  	s3 =	sld [smem:$0x3FFE];
	_ =	sdelay $0x1  }
0x8a: {  	s1 =	srdreg.scid  }
0x8b: {  	s0 =	sand.u32 $0x1, s1  }
0x8c: {  	s17 =	sshll.u32 s0, $0xA;
	s2 =	sadd.s32 s3, s2  }
0x8d: {  	s2 =	sadd.s32 s2, s17  }
0x8e: {  	[smem:$0x3FBC] =	sst s2  }
0x8f: {  	_ = 	snop  }
0x90: {  	s2 =	sld [smem:$0x3FD0];
	(tm) =	ssettm $0x1  }
0x91: {  	s18 =	sld [smem:$0x3FFB];
	_ =	sdelay $0x3  }
0x92: {  	_ =	strace s18  }
0x93: {  	s3 =	sld [smem:$0x3FFC];
	_ =	sdelay $0x3  }
0x94: {  	_ =	strace s3  }
0x95: {  	s3 =	sld [smem:$0x3FFD];
	_ =	sdelay $0x3  }
0x96: {  	_ =	strace s3  }
0x97: {  	_ =	strace $0x8FFFFFFF  }
0x98: {  	s19 =	sld [smem:$0x3FDB];
	_ =	sdelay $0x1  }
0x99: {  	s4 =	simm.s32 $_scs_section_size  }
0x9a: {  	s5 =	simm.s32 $_size__tile_overlayer_lowered;
	s6 =	simm.s32 $_tile_overlayer_lowered  }
0x9b: {  	s22 =	simm.s32 $0x1BFF;
	s21 =	sshll.u32 s6, $0x1;
	s3 =	sadd.s32 s4, s19  }
0x9c: {  	s7 =	simm.s32 $0x0;
	s20 =	sshll.u32 s5, $0x1;
	s5 =	sadd.s32 s21, s3  }
0x9d: {  	[timem:s7], [sflag:s22] =	dma.local [hbm:s5], s20  }
0x9e: {  	_ =	swait.ge [sflag:s22], s20  }
0x9f: {  	s4 =	ssub.s32 $0x0, s20;
	[sflag:s22] =	ssyncset.done $0x0  }
0xa0: {  	[sflag:s22] =	ssyncadd.s32 s4;
	_ =	sdelay $0x1  }
0xa1: {  	s23 =	simm.s32 $0x1B8B  }
0xa2: {  	_ =	swait.ge [sflag:s23], $0x1  }
0xa3: {  	[sflag:s23] =	ssyncset.done $0x0  }
0xa4: {  	s25 =	simm.s32 $0x1B8E;
	s24 =	sld [smem:$0x3FFE];
	[sflag:s23] =	ssyncadd.s32 $0xFFFFFFFF  }
0xa5: {  	s26 =	simm.s32 $execute0_lowered;
	[smem:$0x3FD2] =	sst s25  }
0xa6: {  	s5 =	sshll.u32 s26, $0x1;
	_ =	strace $0x80000049;
	[dreg:$0x1] =	wrdreg $0xFFFFFFFF  }
0xa7: {  	s28 =	simm.s32 $_size_execute0_lowered;
	s3 =	sadd.s32 s3, s5;
	[dreg:$0x0] =	wrdreg $0x0  }
0xa8: {  	s5 =	sshll.u32 s28, $0x1;
	[dreg:$0x2] =	wrdreg s3  }
0xa9: {  	[dreg:$0x3] =	wrdreg s5  }
0xaa: {  	[dreg:$0x4] =	wrdreg $0xC0  }
0xab: {  	_ =	task [dreg:s7], $0x5FFFF  }
0xac: {  	[dreg:$0x1] =	wrdreg $0xFFFFFFFF  }
0xad: {  	[dreg:$0x0] =	wrdreg $0x60  }
0xae: {  	[dreg:$0x2] =	wrdreg s2  }
0xaf: {  	[dreg:$0x3] =	wrdreg s24  }
0xb0: {  	[dreg:$0x4] =	wrdreg $0xB0000  }
0xb1: {  	[dreg:$0x5] =	wrdreg $0x9  }
0xb2: {  	_ =	task.clear_ibuf [dreg:s7], $0x6FFFF;
	_ =	strace $0x90000049  }
0xb3: {  	s29 =	simm.s32 $0x9;
	_ =	strace $0x8000004B  }
0xb4: {  	_ =	swait.ge [sflag:s29], $0x1  }
0xb5: {  	[sflag:s29] =	ssyncadd.s32 $0xFFFFFFFF  }
0xb6: {  	_ =	strace $0x9000004B  }
0xb7: {  	_ =	sfence  }
0xb8: {  	s30 =	sld [smem:$0x0];
	_ =	sdelay $0x2  }
0xb9: {  	s31 =	sshll.u32 s1, $0xD;
	s1 =	sshrl.u32 s1, $0x2  }
0xba: {  	s3 =	sand.u32 $0x4000, s31;
	s1 =	sadd.s32 s1, s30  }
0xbb: {  	s0 =	sor.u32 s3, s0;
	s1 =	sshll.u32 s1, $0x11  }
0xbc: {  	s0 =	sor.u32 s1, s0  }
0xbd: {  	s0 =	sadd.s32 $0x8F2B, s0  }
0xbe: {  	[sflag:s0] =	ssyncadd.remote.s32 $0x1  }
0xbf: {  	_ =	sfence.sel $0xFFFF  }
0xc0: {  	[dreg:$0x0] =	wrdreg $0xFFFFFFFF;
	(pc) =	sbr.abs _section_cstart, $3  }
0xc1: {  	[dreg:$0x1] =	wrdreg $0xFFFFFFFF  }
0xc2: {  	_ =	task.clear_ibuf [dreg:s7], $0x2FFFF;
	_ =	strace $0x9FFFFFFF  }
0xc3: {  	(tm) =	ssettm $0x7FFFFFFF  }
tec
execute0_lowered:
.L_overlay_start_1:
0x0: {  	(tag) =	ssettag $0x1  }
0x1: {  	s1 =	rddreg [dreg:$0x0]  }
0x2: {  	s5 =	rddreg [dreg:$0x1]  }
0x3: {  	s2 =	rddreg [dreg:$0x2]  }
0x4: {  	s3 =	srdreg.scid;
	s0 =	rddreg [dreg:$0x3];
	s4 =	simm.s32 $0x0  }
0x5: {  	s19 =	simm.s32 $0x2;
	s20 =	simm.s32 $0x2800;
	s21 =	simm.s32 $0x9000  }
0x6: {  	s22 =	simm.s32 $0x80;
	s23 =	simm.s32 $0x5000;
	s6 =	sand.u32 $0x1, s3  }
0x7: {  	s24 =	simm.s32 $0x1;
	s3 =	stileid.u32;
	s8 =	smul.u32 $0x140000, s6  }
0x8: {  	s25 =	simm.s32 $0x0;
	s7 =	sshll.u32 s6, $0x4;
	s9 =	smul.u32 $0x14000, s3  }
0x9: {  	s6 =	ssub.s32 $0x2, s6;
	s30 =	smul.u32 $0x50000, s3;
	s7 =	sor.u32 s3, s7  }
0xa: {  	[smem:$0x7FF] =	sst s4;
	s10 =	sshrl.u32 s6, $0x1;
	s7 =	smul.u32 $0x500, s7  }
0xb: {  	_ =	strace $0x8000004A;
	s8 =	sadd.s32 s9, s8;
	s18 =	ssub.s32 s6, s10  }
0xc: {  	s31 =	sshrl.u32 s30, $0x2;
	s8 =	sshrl.u32 s8, $0x3;
	s7 =	sadd.s32 s7, s5  }
0xd: {  	s18 =	smax.u32 s18, $0x1;
	s17 =	sadd.s32 s8, s5;
	s5 =	sadd.s32 $0x82200, s7  }
0xe: {  	s6 =	sadd.s32 $0x2C00, s7;
	s7 =	sadd.s32 s31, s2;
	s17 =	sadd.s32 $0x8C200, s17  }
0xf: {  	s8 =	sadd.s32 $0x2000, s7;
	s9 =	sadd.s32 $0x4000, s7;
	s10 =	sadd.s32 $0x6000, s7  }
0x10: {  	s11 =	sadd.s32 $0x8000, s7;
	s12 =	sadd.s32 $0xA000, s7;
	s13 =	sadd.s32 $0xC000, s7  }
0x11: {  	v0 =	vimm.f32 $0.0e+00;
	s14 =	sadd.s32 $0xE000, s7;
	s15 =	sadd.s32 $0x10000, s7;
	s16 =	sadd.s32 $0x12000, s7  }
.LBB2_1:
0x12: {  	[tilespmem:s4], [sflag:$0x2] =	stream.linear.gather [hbm4b:s5+s4], $0x2780, $0x38;
	[tilespmem:$0x1F000] =	vst v63  }
0x13: {  	_ =	swait.ge [sflag:s19], $0x2780  }
0x14: {  	[sflag:s19] =	ssyncset.done $0x0  }
0x15: {  	[sflag:s19] =	ssyncadd.s32 $0xFFFFD880  }
0x16: {  	[tilespmem:s20], [sflag:$0x2] =	stream.linear.gather [hbm4b:s6+s4], $0x2780, $0x38;
	[tilespmem:$0x1F000] =	vst v63  }
0x17: {  	_ =	swait.ge [sflag:s19], $0x2780  }
0x18: {  	[sflag:s19] =	ssyncset.done $0x0  }
0x19: {  	s26 =	simm.s32 $0x0;
	s28 =	simm.s32 $0x200;
	[sflag:s19] =	ssyncadd.s32 $0xFFFFD880  }
.LBB2_2:
0x1a: {  	p0 =	sne.s32 s28, $0x7E00;
	[tilespmem:s26+$0x9070] =	vst v0  }
0x1b: {  	[tilespmem:s26+$0x9000] =	vst v0  }
0x1c: {  	[tilespmem:s26+$0x9010] =	vst v0  }
.Ltmp0:
0x1d: {  	[tilespmem:s26+$0x9020] =	vst v0;
	(pc) =	sbr.rel @p0 .LBB2_2-.Ltmp0, $4  }
0x1e: {  	[tilespmem:s26+$0x9030] =	vst v0  }
0x1f: {  	[tilespmem:s26+$0x9040] =	vst v0  }
0x20: {  	[tilespmem:s26+$0x9050] =	vst v0  }
0x21: {  	[tilespmem:s26+$0x9060] =	vst v0;
	s26 =	sshra.s32 s28, $0x2;
	s28 =	sadd.s32 $0x200, s28  }
0x22: {  	[tilespmem:s26+$0x9070] =	vst v0  }
0x23: {  	[tilespmem:s26+$0x9000] =	vst v0  }
0x24: {  	[tilespmem:s26+$0x9010] =	vst v0  }
0x25: {  	[tilespmem:s26+$0x9020] =	vst v0  }
0x26: {  	[tilespmem:s26+$0x9030] =	vst v0  }
0x27: {  	[tilespmem:s26+$0x9040] =	vst v0  }
0x28: {  	[tilespmem:s26+$0x9050] =	vst v0  }
0x29: {  	[tilespmem:s26+$0x9060] =	vst v0  }
0x2a: {  	[spmem:s7] =	stream.linear.scatter [tilespmem:s21], [sflag:$0x2], $0x2000, $0x38;
	[tilespmem:$0x1F000] =	vst v63  }
0x2b: {  	_ =	swait.ge [sflag:s19], $0x2000  }
0x2c: {  	[sflag:s19] =	ssyncset.done $0x0  }
0x2d: {  	[sflag:s19] =	ssyncadd.s32 $0xFFFFE000  }
0x2e: {  	[spmem:s8] =	stream.linear.scatter [tilespmem:s21], [sflag:$0x2], $0x2000, $0x38;
	[tilespmem:$0x1F000] =	vst v63  }
0x2f: {  	_ =	swait.ge [sflag:s19], $0x2000  }
0x30: {  	[sflag:s19] =	ssyncset.done $0x0  }
0x31: {  	[sflag:s19] =	ssyncadd.s32 $0xFFFFE000  }
0x32: {  	[spmem:s9] =	stream.linear.scatter [tilespmem:s21], [sflag:$0x2], $0x2000, $0x38;
	[tilespmem:$0x1F000] =	vst v63  }
0x33: {  	_ =	swait.ge [sflag:s19], $0x2000  }
0x34: {  	[sflag:s19] =	ssyncset.done $0x0  }
0x35: {  	[sflag:s19] =	ssyncadd.s32 $0xFFFFE000  }
0x36: {  	[spmem:s10] =	stream.linear.scatter [tilespmem:s21], [sflag:$0x2], $0x2000, $0x38;
	[tilespmem:$0x1F000] =	vst v63  }
0x37: {  	_ =	swait.ge [sflag:s19], $0x2000  }
0x38: {  	[sflag:s19] =	ssyncset.done $0x0  }
0x39: {  	[sflag:s19] =	ssyncadd.s32 $0xFFFFE000  }
0x3a: {  	[spmem:s11] =	stream.linear.scatter [tilespmem:s21], [sflag:$0x2], $0x2000, $0x38;
	[tilespmem:$0x1F000] =	vst v63  }
0x3b: {  	_ =	swait.ge [sflag:s19], $0x2000  }
0x3c: {  	[sflag:s19] =	ssyncset.done $0x0  }
0x3d: {  	[sflag:s19] =	ssyncadd.s32 $0xFFFFE000  }
0x3e: {  	[spmem:s12] =	stream.linear.scatter [tilespmem:s21], [sflag:$0x2], $0x2000, $0x38;
	[tilespmem:$0x1F000] =	vst v63  }
0x3f: {  	_ =	swait.ge [sflag:s19], $0x2000  }
0x40: {  	[sflag:s19] =	ssyncset.done $0x0  }
0x41: {  	[sflag:s19] =	ssyncadd.s32 $0xFFFFE000  }
0x42: {  	[spmem:s13] =	stream.linear.scatter [tilespmem:s21], [sflag:$0x2], $0x2000, $0x38;
	[tilespmem:$0x1F000] =	vst v63  }
0x43: {  	_ =	swait.ge [sflag:s19], $0x2000  }
0x44: {  	[sflag:s19] =	ssyncset.done $0x0  }
0x45: {  	[sflag:s19] =	ssyncadd.s32 $0xFFFFE000  }
0x46: {  	[spmem:s14] =	stream.linear.scatter [tilespmem:s21], [sflag:$0x2], $0x2000, $0x38;
	[tilespmem:$0x1F000] =	vst v63  }
0x47: {  	_ =	swait.ge [sflag:s19], $0x2000  }
0x48: {  	[sflag:s19] =	ssyncset.done $0x0  }
0x49: {  	[sflag:s19] =	ssyncadd.s32 $0xFFFFE000  }
0x4a: {  	[spmem:s15] =	stream.linear.scatter [tilespmem:s21], [sflag:$0x2], $0x2000, $0x38;
	[tilespmem:$0x1F000] =	vst v63  }
0x4b: {  	_ =	swait.ge [sflag:s19], $0x2000  }
0x4c: {  	[sflag:s19] =	ssyncset.done $0x0  }
0x4d: {  	[sflag:s19] =	ssyncadd.s32 $0xFFFFE000  }
0x4e: {  	[spmem:s16] =	stream.linear.scatter [tilespmem:s21], [sflag:$0x2], $0x2000, $0x38;
	[tilespmem:$0x1F000] =	vst v63  }
0x4f: {  	_ =	swait.ge [sflag:s19], $0x2000  }
0x50: {  	[sflag:s19] =	ssyncset.done $0x0  }
0x51: {  	[sflag:s19] =	ssyncadd.s32 $0xFFFFE000  }
0x52: {  	s30 =	simm.s32 $0x0;
	[bflag:$0x0] =	sbarrier.arrive $0xFFFF  }
0x53: {  	[tilespmem:s23], [sflag:$0x1] =	stream.indirect.gather [hbm4b:s1+s22], $0x80, s30, s22, $0xb8;
	[tilespmem:$0x1F000] =	vst v63  }
0x54: {  	_ =	swait.ge [sflag:s24], $0x4000  }
0x55: {  	[sflag:s24] =	ssyncset.done $0x0  }
0x56: {  	s31 =	simm.s32 $0x2800;
	[sflag:s24] =	ssyncadd.s32 $0xFFFFC000  }
0x57: {  	[spmem:s2] =	stream.indirect.scatter.add.f32 [tilespmem:s23], [sflag:$0x2], $0x80, s31, s22, $0xb8;
	[tilespmem:$0x1F000] =	vst v63  }
0x58: {  	_ =	swait.ge [sflag:s19], $0x4000  }
0x59: {  	s26 =	simm.s32 $0x200;
	s28 =	simm.s32 $0x400;
	[sflag:s19] =	ssyncset.done $0x0  }
.LBB2_4:
0x5a: {  	s29 =	sshra.s32 s26, $0x2  }
0x5b: {  	[sflag:s19] =	ssyncadd.s32 $0xFFFFC000;
	s26 =	smov.u32 s28;
	s30 =	sadd.s32 $0x200, s28  }
0x5c: {  	[tilespmem:s23], [sflag:$0x1] =	stream.indirect.gather [hbm4b:s1+s22], $0x80, s29, s22, $0xb8;
	[tilespmem:$0x1F000] =	vst v63  }
0x5d: {  	p0 =	sne.s32 s28, $0x9C00;
	_ =	swait.ge [sflag:s24], $0x4000  }
.Ltmp1:
0x5e: {  	[sflag:s24] =	ssyncset.done $0x0;
	(pc) =	sbr.rel @p0 .LBB2_4-.Ltmp1, $4  }
0x5f: {  	s28 =	sadd.s32 $0x2800, s29;
	[sflag:s24] =	ssyncadd.s32 $0xFFFFC000  }
0x60: {  	[spmem:s2] =	stream.indirect.scatter.add.f32 [tilespmem:s23], [sflag:$0x2], $0x80, s28, s22, $0xb8;
	[tilespmem:$0x1F000] =	vst v63  }
0x61: {  	_ =	swait.ge [sflag:s19], $0x4000  }
0x62: {  	s28 =	smov.u32 s30;
	[sflag:s19] =	ssyncset.done $0x0  }
0x63: {  	s26 =	sshra.s32 s26, $0x2;
	[sflag:s19] =	ssyncadd.s32 $0xFFFFC000  }
0x64: {  	[tilespmem:s23], [sflag:$0x1] =	stream.indirect.gather [hbm4b:s1+s22], $0x80, s26, s22, $0xb8;
	[tilespmem:$0x1F000] =	vst v63  }
0x65: {  	_ =	swait.ge [sflag:s24], $0x4000  }
0x66: {  	[sflag:s24] =	ssyncset.done $0x0  }
0x67: {  	s26 =	sadd.s32 $0x2800, s26;
	[sflag:s24] =	ssyncadd.s32 $0xFFFFC000  }
0x68: {  	[spmem:s2] =	stream.indirect.scatter.add.f32 [tilespmem:s23], [sflag:$0x2], $0x80, s26, s22, $0xb8;
	[tilespmem:$0x1F000] =	vst v63  }
0x69: {  	_ =	swait.ge [sflag:s19], $0x4000  }
0x6a: {  	s31 =	sshll.u32 s3, $0x6;
	s25 =	sadd.s32 $0x1, s25;
	[sflag:s19] =	ssyncset.done $0x0  }
0x6b: {  	s28 =	sshrl.u32 s7, $0x3;
	p0 =	sne.s32 s25, s18;
	[sflag:s19] =	ssyncadd.s32 $0xFFFFC000  }
.Ltmp2:
0x6c: {  	s26 =	sor.u32 $0x1C02, s31;
	[bflag:$0x0] =	sbarrier.arrive $0xFFFF;
	(pc) =	sbr.rel @p0 .LBB2_1-.Ltmp2, $4  }
0x6d: {  	[hbm:s17], [sflag:s26] =	dma.local [spmem:s28], $0x2800  }
0x6e: {  	_ =	swait.ge [sflag:s19], $0x2800  }
0x6f: {  	[sflag:s19] =	ssyncset.done $0x0  }
0x70: {  	[sflag:s19] =	ssyncadd.s32 $0xFFFFD800  }
0x71: {  	_ =	sfence.sel $0x180000  }
0x72: {  	[bflag:$0x0] =	sbarrier.arrive $0xFFFF  }
0x73: {  	p0 =	sne.s32 s3, $0x0;
	_ =	strace $0x9000004A  }
0x74: {  	s0 =	sadd.s32 @!p0 $0x100000, s0;
	[bflag:$0x2] =	sbarrier.arrive $0xFFFF  }
0x75: {  	[sflag:s0] =	ssyncadd.tile.s32 @!p0 $0x1;
	_ =	shalt  }
.Lfunc_end2:
_tile_overlayer_lowered:
.L_overlay_start_2:
0x76: {  	(tag) =	ssettag $0x2  }
0x77: {  	s0 =	rddreg [dreg:$0x0];
	s2 =	stileid.u32  }
0x78: {  	s1 =	rddreg [dreg:$0x1];
	p0 =	sne.s32 s2, $0x0  }
0x79: {  	s3 =	rddreg [dreg:$0x2];
	[bflag:$0x3] =	sbarrier.arrive $0xFFFF;
	s2 =	simm.s32 @!p0 $0x1C02  }
0x7a: {  	[timem:s3], [sflag:s2] =	dma.local @!p0 [hbm:s0], s1  }
0x7b: {  	s0 =	simm.s32 @!p0 $0x2  }
0x7c: {  	_ =	swait.ge @!p0 [sflag:s0], s1  }
0x7d: {  	s1 =	ssub.s32 @!p0 $0x0, s1;
	[sflag:s0] =	ssyncset.done @!p0 $0x0  }
0x7e: {  	[sflag:s0] =	ssyncadd.s32 @!p0 s1  }
0x7f: {  	[bflag:$0x3] =	sbarrier.arrive $0xFFFF  }
0x80: {  	_ =	shalt  }

// kernel: kernel.5.cloned.1.call-start
scs
__scs_entry_jumppad:
0x0: {  	(pc) =	sbr.rel $0x88, $3  }
0x1: {  	(tag) =	ssettag $0x0;
	lr =	simm.s32 $0x1  }
0x2: {  	[smem:$0x3F95] =	sst lr;
	_ =	strace $0xD0000000  }
0x3: {  	_ = 	snop  }
0x4: {  	_ = 	snop  }
0x5: {  	_ = 	snop  }
0x6: {  	_ = 	snop  }
0x7: {  	_ = 	snop  }
__scs_overlays_trampoline_lowered:
0x8: {  	[smem:$0x3FA4] =	sst s0  }
0x9: {  	[smem:$0x3FA5] =	sst s1  }
0xa: {  	[smem:$0x3FA6] =	sst s2  }
0xb: {  	[smem:$0x3FA7] =	sst s3  }
0xc: {  	[smem:$0x3FA8] =	sst s4  }
0xd: {  	[smem:$0x3FA9] =	sst s5  }
0xe: {  	[smem:$0x3FAA] =	sst s6  }
0xf: {  	[smem:$0x3FAB] =	sst s7  }
0x10: {  	[smem:$0x3FAC] =	sst s8  }
0x11: {  	[smem:$0x3FAD] =	sst s9;
	s0 =	simm.s32 @!p0 $0x0  }
0x12: {  	s1 =	sld [smem:$0x3F93];
	s0 =	simm.s32 @p0 $0x1  }
0x13: {  	[smem:$0x3FAE] =	sst s0;
	s0 =	simm.s32 @!p1 $0x0  }
0x14: {  	s2 =	sld [smem:$0x3F92];
	s0 =	simm.s32 @p1 $0x1  }
0x15: {  	[smem:$0x3FAF] =	sst s0;
	s0 =	simm.s32 @!p2 $0x0  }
0x16: {  	s3 =	sld [smem:$0x3FDB];
	s0 =	simm.s32 @p2 $0x1  }
0x17: {  	s4 =	simm.s32 $0x1BF5;
	[smem:$0x3FB1] =	sst s0  }
0x18: {  	s0 =	sld [smem:$0x3F94];
	_ =	swait.ge [sflag:s4], $0x0  }
0x19: {  	s7 =	sld [smem:$0x3F95]  }
0x1a: {  	s8 =	sadd.s32 $0xFFFFE003, lr  }
0x1b: {  	s9 =	sadd.s32 $0xFFFFFEF7, lr;
	s5 =	simm.s32 $0xFFFFFFFF;
	p2 =	slt.u32 s8, $0xFFFFF086  }
0x1c: {  	p1 =	slt.u32 s9, $0xF7A;
	s5 =	simm.s32 @!p2 $0x0  }
0x1d: {  	s5 =	simm.s32 @p1 $0x1;
	p0 =	seq.s32 s7, s2  }
0x1e: {  	s7 =	smul.u32 @!p0 $0xF7A, s2;
	p2 =	seq.s32 @!p0 s5, $0x0  }
0x1f: {  	s9 =	smul.u32 $0xF7A, s1;
	s8 =	simm.s32 @!p0 $0x1BF5;
	p2 =	por !p2, p0  }
0x20: {  	[sflag:s8] =	ssyncset.s32 @!p0 $0xFFFFF086;
	s6 =	sadd.s32 @!p0 s3, s7;
	s7 =	simm.s32 @!p0 $0x108  }
0x21: {  	s3 =	sadd.s32 s3, s9;
	s6 =	sadd.s32 @!p0 $0x88, s6;
	s7 =	simm.s32 @p2 $0x1082  }
0x22: {  	[simem:s7], [sflag:s8] =	dma.local @!p0 [hbm:s6], $0xF7A  }
0x23: {  	s9 =	sor.u32 $0xD0000000, s2;
	s6 =	simm.s32 $0x108;
	_ =	swait.ge @!p0 [sflag:s8], $0x0  }
0x24: {  	s3 =	sadd.s32 $0x88, s3;
	s6 =	simm.s32 @!p1 $0x1082;
	[sflag:s4] =	ssyncset.s32 $0xFFFFF086  }
0x25: {  	[simem:s6], [sflag:s4] =	dma.local [hbm:s3], $0xF7A  }
0x26: {  	[smem:$0x3F95] =	sst s1;
	(tag) =	ssettag s2;
	_ =	strace s9  }
0x27: {  	s1 =	sld [smem:$0x3FA5]  }
0x28: {  	s2 =	sld [smem:$0x3FA6]  }
0x29: {  	s4 =	sld [smem:$0x3FA8]  }
0x2a: {  	p0 =	seq.s32 s5, $0x0;
	s5 =	sld [smem:$0x3FA9]  }
0x2b: {  	s6 =	sld [smem:$0x3FAA]  }
0x2c: {  	s7 =	sld [smem:$0x3FAB]  }
0x2d: {  	s3 =	simm.s32 $0x108;
	s8 =	sld [smem:$0x3FAC]  }
0x2e: {  	s3 =	simm.s32 @!p0 $0x1082;
	s9 =	sld [smem:$0x3FAD]  }
0x2f: {  	lr =	sadd.s32 s0, s3;
	s0 =	sld [smem:$0x3FA4]  }
0x30: {  	s3 =	sld [smem:$0x3FA7]  }
0x31: {  	[smem:$0x3FB0] =	sst s10  }
0x32: {  	s10 =	sld [smem:$0x3FAE];
	_ =	sdelay $0x3  }
0x33: {  	p0 =	seq.s32 s10, $0x1;
	s10 =	sld [smem:$0x3FB0];
	_ =	sdelay $0x3  }
0x34: {  	[smem:$0x3FB0] =	sst s10  }
0x35: {  	s10 =	sld [smem:$0x3FAF];
	_ =	sdelay $0x3  }
0x36: {  	p1 =	seq.s32 s10, $0x1;
	s10 =	sld [smem:$0x3FB0];
	_ =	sdelay $0x3  }
0x37: {  	[smem:$0x3FB0] =	sst s10  }
0x38: {  	s10 =	sld [smem:$0x3FB1]  }
0x39: {  	_ = 	snop;
	(pc) =	sbr.ind lr, $3  }
0x3a: {  	_ = 	snop  }
0x3b: {  	_ = 	snop  }
0x3c: {  	p2 =	seq.s32 s10, $0x1;
	s10 =	sld [smem:$0x3FB0]  }
0x3d: {  	_ =	shalt  }
0x3e: {  	_ =	shalt  }
0x3f: {  	_ =	shalt  }
0x40: {  	_ =	shalt  }
0x41: {  	_ =	shalt  }
0x42: {  	_ =	shalt  }
0x43: {  	_ =	shalt  }
0x44: {  	_ =	shalt  }
0x45: {  	_ =	shalt  }
0x46: {  	_ =	shalt  }
0x47: {  	_ =	shalt  }
0x48: {  	_ =	shalt  }
0x49: {  	_ =	shalt  }
0x4a: {  	_ =	shalt  }
0x4b: {  	_ =	shalt  }
0x4c: {  	_ =	shalt  }
0x4d: {  	_ =	shalt  }
0x4e: {  	_ =	shalt  }
0x4f: {  	_ =	shalt  }
0x50: {  	_ =	shalt  }
0x51: {  	_ =	shalt  }
0x52: {  	_ =	shalt  }
0x53: {  	_ =	shalt  }
0x54: {  	_ =	shalt  }
0x55: {  	_ =	shalt  }
0x56: {  	_ =	shalt  }
0x57: {  	_ =	shalt  }
0x58: {  	_ =	shalt  }
0x59: {  	_ =	shalt  }
0x5a: {  	_ =	shalt  }
0x5b: {  	_ =	shalt  }
0x5c: {  	_ =	shalt  }
0x5d: {  	_ =	shalt  }
0x5e: {  	_ =	shalt  }
0x5f: {  	_ =	shalt  }
0x60: {  	_ =	shalt  }
0x61: {  	_ =	shalt  }
0x62: {  	_ =	shalt  }
0x63: {  	_ =	shalt  }
0x64: {  	_ =	shalt  }
0x65: {  	_ =	shalt  }
0x66: {  	_ =	shalt  }
0x67: {  	_ =	shalt  }
0x68: {  	_ =	shalt  }
0x69: {  	_ =	shalt  }
0x6a: {  	_ =	shalt  }
0x6b: {  	_ =	shalt  }
0x6c: {  	_ =	shalt  }
0x6d: {  	_ =	shalt  }
0x6e: {  	_ =	shalt  }
0x6f: {  	_ =	shalt  }
0x70: {  	_ =	shalt  }
0x71: {  	_ =	shalt  }
0x72: {  	_ =	shalt  }
0x73: {  	_ =	shalt  }
0x74: {  	_ =	shalt  }
0x75: {  	_ =	shalt  }
0x76: {  	_ =	shalt  }
0x77: {  	_ =	shalt  }
0x78: {  	_ =	shalt  }
0x79: {  	_ =	shalt  }
0x7a: {  	_ =	shalt  }
0x7b: {  	_ =	shalt  }
0x7c: {  	_ =	shalt  }
0x7d: {  	_ =	shalt  }
0x7e: {  	_ =	shalt  }
0x7f: {  	_ =	shalt  }
0x80: {  	_ =	shalt  }
0x81: {  	_ =	shalt  }
0x82: {  	_ =	shalt  }
0x83: {  	_ =	shalt  }
0x84: {  	_ =	shalt  }
0x85: {  	_ =	shalt  }
0x86: {  	_ =	shalt  }
0x87: {  	_ =	shalt  }
.Lfunc_end0:
.L_simem_size_0:
called_computation.1_lowered:
.L_overlay_start_0:
0x88: {  	s2 =	sld [smem:$0x3FD9]  }
0x89: {  	s3 =	sld [smem:$0x3FFE];
	_ =	sdelay $0x1  }
0x8a: {  	s1 =	srdreg.scid  }
0x8b: {  	s0 =	sand.u32 $0x1, s1  }
0x8c: {  	s17 =	sshll.u32 s0, $0xA;
	s2 =	sadd.s32 s3, s2  }
0x8d: {  	s2 =	sadd.s32 s2, s17  }
0x8e: {  	[smem:$0x3FBC] =	sst s2  }
0x8f: {  	_ = 	snop  }
0x90: {  	s2 =	sld [smem:$0x3FD0];
	(tm) =	ssettm $0x1  }
0x91: {  	s18 =	sld [smem:$0x3FFB];
	_ =	sdelay $0x3  }
0x92: {  	_ =	strace s18  }
0x93: {  	s3 =	sld [smem:$0x3FFC];
	_ =	sdelay $0x3  }
0x94: {  	_ =	strace s3  }
0x95: {  	s3 =	sld [smem:$0x3FFD];
	_ =	sdelay $0x3  }
0x96: {  	_ =	strace s3  }
0x97: {  	_ =	strace $0x8FFFFFFF  }
0x98: {  	s19 =	sld [smem:$0x3FDB];
	_ =	sdelay $0x1  }
0x99: {  	s4 =	simm.s32 $_scs_section_size  }
0x9a: {  	s5 =	simm.s32 $_size__tile_overlayer_lowered;
	s6 =	simm.s32 $_tile_overlayer_lowered  }
0x9b: {  	s22 =	simm.s32 $0x1BFF;
	s21 =	sshll.u32 s6, $0x1;
	s3 =	sadd.s32 s4, s19  }
0x9c: {  	s7 =	simm.s32 $0x0;
	s20 =	sshll.u32 s5, $0x1;
	s5 =	sadd.s32 s21, s3  }
0x9d: {  	[timem:s7], [sflag:s22] =	dma.local [hbm:s5], s20  }
0x9e: {  	_ =	swait.ge [sflag:s22], s20  }
0x9f: {  	s4 =	ssub.s32 $0x0, s20;
	[sflag:s22] =	ssyncset.done $0x0  }
0xa0: {  	[sflag:s22] =	ssyncadd.s32 s4;
	_ =	sdelay $0x1  }
0xa1: {  	s23 =	simm.s32 $0x1B8B  }
0xa2: {  	_ =	swait.ge [sflag:s23], $0x1  }
0xa3: {  	[sflag:s23] =	ssyncset.done $0x0  }
0xa4: {  	s25 =	simm.s32 $0x1B8E;
	s24 =	sld [smem:$0x3FFE];
	[sflag:s23] =	ssyncadd.s32 $0xFFFFFFFF  }
0xa5: {  	s26 =	simm.s32 $execute0_lowered;
	[smem:$0x3FD2] =	sst s25  }
0xa6: {  	s5 =	sshll.u32 s26, $0x1;
	_ =	strace $0x80000046;
	[dreg:$0x1] =	wrdreg $0xFFFFFFFF  }
0xa7: {  	s28 =	simm.s32 $_size_execute0_lowered;
	s3 =	sadd.s32 s3, s5;
	[dreg:$0x0] =	wrdreg $0x0  }
0xa8: {  	s5 =	sshll.u32 s28, $0x1;
	[dreg:$0x2] =	wrdreg s3  }
0xa9: {  	[dreg:$0x3] =	wrdreg s5  }
0xaa: {  	[dreg:$0x4] =	wrdreg $0xC0  }
0xab: {  	_ =	task [dreg:s7], $0x5FFFF  }
0xac: {  	[dreg:$0x1] =	wrdreg $0xFFFFFFFF  }
0xad: {  	[dreg:$0x0] =	wrdreg $0x60  }
0xae: {  	[dreg:$0x2] =	wrdreg s24  }
0xaf: {  	[dreg:$0x3] =	wrdreg s2  }
0xb0: {  	[dreg:$0x4] =	wrdreg $0x2B000  }
0xb1: {  	[dreg:$0x5] =	wrdreg $0x9  }
0xb2: {  	_ =	task.clear_ibuf [dreg:s7], $0x6FFFF;
	_ =	strace $0x90000046  }
0xb3: {  	s29 =	simm.s32 $0x9;
	_ =	strace $0x80000048  }
0xb4: {  	_ =	swait.ge [sflag:s29], $0x1  }
0xb5: {  	[sflag:s29] =	ssyncadd.s32 $0xFFFFFFFF  }
0xb6: {  	_ =	strace $0x90000048  }
0xb7: {  	_ =	sfence  }
0xb8: {  	s30 =	sld [smem:$0x0];
	_ =	sdelay $0x2  }
0xb9: {  	s31 =	sshll.u32 s1, $0xD;
	s1 =	sshrl.u32 s1, $0x2  }
0xba: {  	s3 =	sand.u32 $0x4000, s31;
	s1 =	sadd.s32 s1, s30  }
0xbb: {  	s0 =	sor.u32 s3, s0;
	s1 =	sshll.u32 s1, $0x11  }
0xbc: {  	s0 =	sor.u32 s1, s0  }
0xbd: {  	s0 =	sadd.s32 $0x8F2B, s0  }
0xbe: {  	[sflag:s0] =	ssyncadd.remote.s32 $0x1  }
0xbf: {  	_ =	sfence.sel $0xFFFF  }
0xc0: {  	[dreg:$0x0] =	wrdreg $0xFFFFFFFF;
	(pc) =	sbr.abs _section_cstart, $3  }
0xc1: {  	[dreg:$0x1] =	wrdreg $0xFFFFFFFF  }
0xc2: {  	_ =	task.clear_ibuf [dreg:s7], $0x2FFFF;
	_ =	strace $0x9FFFFFFF  }
0xc3: {  	(tm) =	ssettm $0x7FFFFFFF  }
tec
execute0_lowered:
.L_overlay_start_1:
0x0: {  	(tag) =	ssettag $0x1  }
0x1: {  	s4 =	rddreg [dreg:$0x0]  }
0x2: {  	s6 =	rddreg [dreg:$0x1]  }
0x3: {  	s0 =	srdreg.scid;
	s2 =	rddreg [dreg:$0x2]  }
0x4: {  	s3 =	simm.s32 $0x0;
	s11 =	simm.s32 $0x2800;
	s14 =	simm.s32 $0x20  }
0x5: {  	s15 =	simm.s32 $0x10;
	s5 =	sand.u32 $0x1, s0;
	s0 =	stileid.u32  }
0x6: {  	s16 =	simm.s32 $0x0;
	[smem:$0x7FF] =	sst s3;
	s8 =	smul.u32 $0xA00, s0  }
0x7: {  	s1 =	sshll.u32 s5, $0x4;
	s9 =	ssub.s32 $0x2, s5;
	s10 =	smul.u32 $0x500, s0  }
0x8: {  	s5 =	sshll.u32 s5, $0x7;
	s12 =	sshll.u32 s0, $0x6;
	s7 =	sor.u32 s0, s1  }
0x9: {  	s1 =	rddreg [dreg:$0x3];
	_ =	strace $0x80000047;
	s29 =	sshrl.u32 s9, $0x1  }
0xa: {  	s12 =	sor.u32 $0x1C01, s12;
	s7 =	smul.u32 $0x500, s7;
	s8 =	sshrl.u32 s8, $0x2  }
0xb: {  	s30 =	sor.u32 s5, s10;
	s10 =	simm.s32 $0x80;
	s5 =	sadd.s32 s8, s2  }
0xc: {  	s31 =	sshrl.u32 s30, $0x3;
	s8 =	simm.s32 $0x1;
	s4 =	sadd.s32 s7, s4  }
0xd: {  	s7 =	ssub.s32 s9, s29;
	s6 =	sadd.s32 s6, s31;
	s9 =	simm.s32 $0x2880  }
0xe: {  	v0 =	vimm.f32 $1.000000000e+00;
	v1 =	vimm.f32 $0.0e+00;
	s13 =	sshrl.u32 s5, $0x3;
	s4 =	sadd.s32 $0x2C00, s4;
	s7 =	smax.u32 s7, $0x1  }
.LBB2_1:
0xf: {  	[tilespmem:s3], [sflag:$0x1] =	stream.linear.gather [hbm4b:s4+s3], $0x2780, $0x38;
	[tilespmem:$0x2D80] =	vst v63  }
0x10: {  	_ =	swait.ge [sflag:s8], $0x2780  }
0x11: {  	[sflag:s8] =	ssyncset.done $0x0  }
0x12: {  	[sflag:s8] =	ssyncadd.s32 $0xFFFFD880  }
0x13: {  	[tilespmem:$0x2800] =	vst v0  }
0x14: {  	[tilespmem:$0x2810] =	vst v0  }
0x15: {  	[tilespmem:$0x2820] =	vst v0  }
0x16: {  	[tilespmem:$0x2830] =	vst v0  }
0x17: {  	[tilespmem:$0x2840] =	vst v0  }
0x18: {  	[tilespmem:$0x2850] =	vst v0  }
0x19: {  	[tilespmem:$0x2860] =	vst v0  }
0x1a: {  	[tilespmem:$0x2870] =	vst v0  }
0x1b: {  	[tilespmem:$0x2880] =	vst v1  }
0x1c: {  	[tilespmem:$0x2890] =	vst v1  }
0x1d: {  	[tilespmem:$0x28A0] =	vst v1  }
0x1e: {  	[tilespmem:$0x28B0] =	vst v1  }
0x1f: {  	[tilespmem:$0x28C0] =	vst v1  }
0x20: {  	[tilespmem:$0x28D0] =	vst v1  }
0x21: {  	[tilespmem:$0x28E0] =	vst v1  }
0x22: {  	[tilespmem:$0x28F0] =	vst v1  }
0x23: {  	[tilespmem:$0x2900] =	vst v1  }
0x24: {  	[tilespmem:$0x2910] =	vst v1  }
0x25: {  	[tilespmem:$0x2920] =	vst v1  }
0x26: {  	[tilespmem:$0x2930] =	vst v1  }
0x27: {  	[tilespmem:$0x2940] =	vst v1  }
0x28: {  	[tilespmem:$0x2950] =	vst v1  }
0x29: {  	[tilespmem:$0x2960] =	vst v1  }
0x2a: {  	[tilespmem:$0x2970] =	vst v1  }
0x2b: {  	[tilespmem:$0x2980] =	vst v1  }
0x2c: {  	[tilespmem:$0x2990] =	vst v1  }
0x2d: {  	[tilespmem:$0x29A0] =	vst v1  }
0x2e: {  	[tilespmem:$0x29B0] =	vst v1  }
0x2f: {  	[tilespmem:$0x29C0] =	vst v1  }
0x30: {  	[tilespmem:$0x29D0] =	vst v1  }
0x31: {  	[tilespmem:$0x29E0] =	vst v1  }
0x32: {  	[tilespmem:$0x29F0] =	vst v1  }
0x33: {  	[tilespmem:$0x2A00] =	vst v1  }
0x34: {  	[tilespmem:$0x2A10] =	vst v1  }
0x35: {  	[tilespmem:$0x2A20] =	vst v1  }
0x36: {  	[tilespmem:$0x2A30] =	vst v1  }
0x37: {  	[tilespmem:$0x2A40] =	vst v1  }
0x38: {  	[tilespmem:$0x2A50] =	vst v1  }
0x39: {  	[tilespmem:$0x2A60] =	vst v1  }
0x3a: {  	[tilespmem:$0x2A70] =	vst v1  }
0x3b: {  	[tilespmem:$0x2A80] =	vst v1  }
0x3c: {  	[tilespmem:$0x2A90] =	vst v1  }
0x3d: {  	[tilespmem:$0x2AA0] =	vst v1  }
0x3e: {  	[tilespmem:$0x2AB0] =	vst v1  }
0x3f: {  	[tilespmem:$0x2AC0] =	vst v1  }
0x40: {  	[tilespmem:$0x2AD0] =	vst v1  }
0x41: {  	[tilespmem:$0x2AE0] =	vst v1  }
0x42: {  	[tilespmem:$0x2AF0] =	vst v1  }
0x43: {  	[spmem:s5] =	stream.linear.scatter [tilespmem:s9], [sflag:$0x1], $0x280, $0x38;
	[tilespmem:$0x2D80] =	vst v63  }
0x44: {  	_ =	swait.ge [sflag:s8], $0x280  }
0x45: {  	[sflag:s8] =	ssyncset.done $0x0  }
0x46: {  	[sflag:s8] =	ssyncadd.s32 $0xFFFFFD80  }
0x47: {  	s17 =	simm.s32 $0x0;
	[bflag:$0x0] =	sbarrier.arrive $0xFFFF  }
0x48: {  	[spmem:s2] =	stream.indirect.scatter.add.f32 [tilespmem:s11], [sflag:$0x1], $0x1, s17, s10, $0xb8;
	[tilespmem:$0x2D80] =	vst v63  }
0x49: {  	_ =	swait.ge [sflag:s8], $0x80  }
0x4a: {  	s17 =	simm.s32 $0x200;
	[sflag:s8] =	ssyncset.done $0x0  }
.LBB2_2:
0x4b: {  	s18 =	sshra.s32 s17, $0x2;
	[sflag:s8] =	ssyncadd.s32 $0xFFFFFF80;
	p0 =	sne.s32 s17, $0x9C00  }
0x4c: {  	[spmem:s2] =	stream.indirect.scatter.add.f32 [tilespmem:s11], [sflag:$0x1], $0x1, s18, s10, $0xb8;
	[tilespmem:$0x2D80] =	vst v63  }
.Ltmp0:
0x4d: {  	_ = 	snop;
	(pc) =	sbr.rel @p0 .LBB2_2-.Ltmp0, $4  }
0x4e: {  	_ = 	snop  }
0x4f: {  	s17 =	sadd.s32 $0x200, s17  }
0x50: {  	_ =	swait.ge [sflag:s8], $0x80  }
0x51: {  	[sflag:s8] =	ssyncset.done $0x0  }
0x52: {  	s16 =	sadd.s32 $0x1, s16  }
0x53: {  	[sflag:s8] =	ssyncadd.s32 $0xFFFFFF80;
	p0 =	sne.s32 s16, s7  }
.Ltmp1:
0x54: {  	[bflag:$0x0] =	sbarrier.arrive $0xFFFF;
	(pc) =	sbr.rel @p0 .LBB2_1-.Ltmp1, $4  }
0x55: {  	[hbm:s6@s14], [sflag:s12] =	dma.strided [spmem:s13@s15], $0x50, s8, $0x10   }
0x56: {  	_ =	swait.ge [sflag:s8], $0x50  }
0x57: {  	[sflag:s8] =	ssyncset.done $0x0  }
0x58: {  	[sflag:s8] =	ssyncadd.s32 $0xFFFFFFB0  }
0x59: {  	_ =	sfence.sel $0x180000  }
0x5a: {  	[bflag:$0x0] =	sbarrier.arrive $0xFFFF  }
0x5b: {  	p0 =	sne.s32 s0, $0x0;
	_ =	strace $0x90000047  }
0x5c: {  	s0 =	sadd.s32 @!p0 $0x100000, s1;
	[bflag:$0x2] =	sbarrier.arrive $0xFFFF  }
0x5d: {  	[sflag:s0] =	ssyncadd.tile.s32 @!p0 $0x1;
	_ =	shalt  }
.Lfunc_end2:
_tile_overlayer_lowered:
.L_overlay_start_2:
0x5e: {  	(tag) =	ssettag $0x2  }
0x5f: {  	s0 =	rddreg [dreg:$0x0];
	s2 =	stileid.u32  }
0x60: {  	s1 =	rddreg [dreg:$0x1];
	p0 =	sne.s32 s2, $0x0  }
0x61: {  	s3 =	rddreg [dreg:$0x2];
	[bflag:$0x3] =	sbarrier.arrive $0xFFFF;
	s2 =	simm.s32 @!p0 $0x1C01  }
0x62: {  	[timem:s3], [sflag:s2] =	dma.local @!p0 [hbm:s0], s1  }
0x63: {  	s0 =	simm.s32 @!p0 $0x1  }
0x64: {  	_ =	swait.ge @!p0 [sflag:s0], s1  }
0x65: {  	s1 =	ssub.s32 @!p0 $0x0, s1;
	[sflag:s0] =	ssyncset.done @!p0 $0x0  }
0x66: {  	[sflag:s0] =	ssyncadd.s32 @!p0 s1  }
0x67: {  	[bflag:$0x3] =	sbarrier.arrive $0xFFFF  }
0x68: {  	_ =	shalt  }

</sc_bundles>
